<compile_context>
chip_gen: v7x
topology: tpu7x:2x2x1
jax: 0.10.2.dev20260603
libtpu: 0.0.44.dev20260713+nightly
codegen_flags: <defaults>
</compile_context>

<pallas_src>
import functools

import jax
import jax.numpy as jnp
from jax import lax
from jax.experimental import pallas as pl
from jax.experimental.pallas import tpu as pltpu
from jax.experimental.pallas import tpu_sc as plsc

_B = 512
_NIDX = (_B * 4) // 128

_CATAN = (
    0.9999999842746153, -0.3333306692040364, 0.19992485341394298,
    -0.14202580379111696, 0.1063678294406024, -0.07495492338820947,
    0.04258803011409887, -0.016005224942998095, 0.002834098973210547,
)
_CSIN = (
    0.9999999999830139, -0.16666666616944775, 0.008333330977974318,
    -0.0001984086158254364, 2.752528772451135e-06, -2.3889498990126157e-08,
)
_PI = 3.14159265358979323846
_TWO_PI = 6.28318530717958647692
_HALF_PI = 1.57079632679489661923


def _rsqrt(x):
    i = lax.bitcast_convert_type(x, jnp.uint32)
    i = jnp.uint32(0x5F3759DF) - (i >> jnp.uint32(1))
    y = lax.bitcast_convert_type(i, jnp.float32)
    half_x = jnp.float32(0.5) * x
    for _ in range(3):
        y = y * (jnp.float32(1.5) - half_x * y * y)
    return y


def _atan2(y, x):
    ax = jnp.abs(x)
    ay = jnp.abs(y)
    hi = jnp.maximum(ax, ay)
    lo = jnp.minimum(ax, ay)
    t = lo / hi
    z = t * t
    p = jnp.float32(_CATAN[-1])
    for c in _CATAN[-2::-1]:
        p = p * z + jnp.float32(c)
    p = p * t
    p = jnp.where(ay > ax, jnp.float32(_HALF_PI) - p, p)
    p = jnp.where(x < jnp.float32(0.0), jnp.float32(_PI) - p, p)
    sign = lax.bitcast_convert_type(y, jnp.uint32) & jnp.uint32(0x80000000)
    mag = lax.bitcast_convert_type(p, jnp.uint32) & jnp.uint32(0x7FFFFFFF)
    return lax.bitcast_convert_type(mag | sign, jnp.float32)


def _cos_wrapped(u):
    u = jnp.where(u < jnp.float32(-_PI), u + jnp.float32(_TWO_PI), u)
    h = jnp.float32(0.5) * u
    w = h * h
    s = jnp.float32(_CSIN[-1])
    for c in _CSIN[-2::-1]:
        s = s * w + jnp.float32(c)
    s = s * h
    return jnp.float32(1.0) - jnp.float32(2.0) * s * s


def _torsion_energy(r, fc_l, per_l, ph_l):
    b1 = [r[1][c] - r[0][c] for c in range(3)]
    b2 = [r[2][c] - r[1][c] for c in range(3)]
    b3 = [r[3][c] - r[2][c] for c in range(3)]
    n1 = [b1[1] * b2[2] - b1[2] * b2[1],
          b1[2] * b2[0] - b1[0] * b2[2],
          b1[0] * b2[1] - b1[1] * b2[0]]
    n2 = [b2[1] * b3[2] - b2[2] * b3[1],
          b2[2] * b3[0] - b2[0] * b3[2],
          b2[0] * b3[1] - b2[1] * b3[0]]
    x = n1[0] * n2[0] + n1[1] * n2[1] + n1[2] * n2[2]
    n1b3 = n1[0] * b3[0] + n1[1] * b3[1] + n1[2] * b3[2]
    b2sq = b2[0] * b2[0] + b2[1] * b2[1] + b2[2] * b2[2]
    y = (b2sq * _rsqrt(b2sq)) * n1b3
    phi = _atan2(y, x)
    return fc_l * (jnp.float32(1.0) + _cos_wrapped(per_l * phi - ph_l))


def _make_sc_kernel(tw, nblk, nw, nc, npad):
    mesh = plsc.VectorSubcoreMesh(core_axis_name="c", subcore_axis_name="s")
    chunk = npad // 16

    @functools.partial(
        pl.kernel,
        out_type=jax.ShapeDtypeStruct((nw, 16), jnp.float32),
        mesh=mesh,
        compiler_params=pltpu.CompilerParams(
            needs_layout_passes=False, use_tc_tiling_on_sc=False),
        scratch_types=[
            pltpu.VMEM((_NIDX, 128), jnp.int32),
            pltpu.VMEM((_B * 4, 8), jnp.float32),
            pltpu.VMEM((_B,), jnp.float32),
            pltpu.VMEM((_B,), jnp.float32),
            pltpu.VMEM((_B,), jnp.float32),
            pltpu.VMEM((16,), jnp.float32),
            pltpu.VMEM_SHARED((npad, 8), jnp.float32),
            pltpu.SemaphoreType.DMA,
        ],
    )
    def torsion_kernel(coords_hbm, tors_hbm, fc_hbm, per_hbm, ph_hbm, out_hbm,
                       idx_v, rows_v, fc_v, per_v, ph_v, acc_v, shared_v, sem):
        cid = lax.axis_index("c")
        sid = lax.axis_index("s")
        wid = sid * nc + cid
        t0w = wid * tw
        acc_v[...] = jnp.zeros((16,), jnp.float32)

        c0 = pl.multiple_of(sid * chunk, 8)
        pltpu.sync_copy(coords_hbm.at[pl.ds(c0, chunk)],
                        shared_v.at[pl.ds(c0, chunk)])
        plsc.subcore_barrier()

        def blk_body(blk, carry):
            t0 = pl.multiple_of(t0w + blk * _B, _B)
            row0 = pl.multiple_of(wid * (tw // 32) + blk * _NIDX, 8)
            pltpu.sync_copy(fc_hbm.at[pl.ds(t0, _B)], fc_v)
            pltpu.sync_copy(per_hbm.at[pl.ds(t0, _B)], per_v)
            pltpu.sync_copy(ph_hbm.at[pl.ds(t0, _B)], ph_v)
            pltpu.sync_copy(tors_hbm.at[pl.ds(row0, _NIDX)], idx_v)
            copies = []
            for j in range(_NIDX):
                copies.append(pltpu.async_copy(
                    shared_v.at[idx_v.at[j]],
                    rows_v.at[pl.ds(j * 128, 128)], sem))
            for cp in copies:
                cp.wait()

            def grp_body(g, carry2):
                base = g * 64
                lane4 = lax.broadcasted_iota(jnp.int32, (16,), 0) * 4
                row0 = base + lane4
                cols = [jnp.full((16,), c, jnp.int32) for c in range(3)]
                r = [[plsc.load_gather(rows_v, [row0 + a, cols[c]])
                      for c in range(3)] for a in range(4)]
                g16 = g * 16
                ene = _torsion_energy(
                    r, fc_v[pl.ds(g16, 16)], per_v[pl.ds(g16, 16)],
                    ph_v[pl.ds(g16, 16)])
                acc_v[...] = acc_v[...] + ene
                return carry2

            lax.fori_loop(0, _B // 16, grp_body, 0)
            return carry

        lax.fori_loop(0, nblk, blk_body, 0)
        pltpu.sync_copy(acc_v, out_hbm.at[wid])

    return torsion_kernel


def kernel(coords, torsions, fc, periodicity, phase):
    n = coords.shape[0]
    m = torsions.shape[0]
    info = plsc.get_sparse_core_info()
    nc, ns = info.num_cores, info.num_subcores
    nw = nc * ns
    tw = -(-(-(-m // nw)) // _B) * _B
    mp = tw * nw
    nblk = tw // _B

    npad = -(-n // 128) * 128
    coords8 = jnp.pad(coords, ((0, npad - n), (0, 5)))
    pad = mp - m
    pad_rows = jnp.broadcast_to(jnp.arange(4, dtype=jnp.int32), (pad, 4))
    tors_p = jnp.concatenate([torsions, pad_rows], axis=0)
    tors2d = tors_p.reshape(mp * 4 // 128, 128)
    zpad = jnp.zeros((pad,), jnp.float32)
    fc_p = jnp.concatenate([fc, zpad])
    per_p = jnp.concatenate([periodicity, zpad])
    ph_p = jnp.concatenate([phase, zpad])

    partials = _make_sc_kernel(tw, nblk, nw, nc, npad)(
        coords8, tors2d, fc_p, per_p, ph_p)
    return jnp.sum(partials)

# --- scband reference (transcript-rebuilt; emitter-appended) ---
"""Pipeline reference for scband-periodic-torsion-5454608466124 (READ-ONLY COPY).

The authoritative reference and input builder live on the scoring server;
editing this copy changes nothing except your own understanding.
"""

import jax, jax.numpy as jnp
import numpy as np


def setup_inputs(seed: int = 0) -> dict:
    key = jax.random.key(seed)
    k1, k2, k3, k4, k5 = jax.random.split(key, 5)
    N = 100000
    M = 500000
    coords = jax.random.normal(k1, (N, 3), dtype=jnp.float32) * 10.0
    torsions = jax.random.randint(k2, (M, 4), 0, N, dtype=jnp.int32)
    fc = jax.random.uniform(k3, (M,), dtype=jnp.float32)
    periodicity = jax.random.uniform(k4, (M,), dtype=jnp.float32)
    phase = jax.random.uniform(k5, (M,), dtype=jnp.float32)
    return {"coords": coords, "torsions": torsions, "fc": fc, "periodicity": periodicity, "phase": phase}


def _compute_torsion(coords, torsions):
    i = torsions[:, 0]
    j = torsions[:, 1]
    k = torsions[:, 2]
    l = torsions[:, 3]
    r_i = jnp.take(coords, i, axis=0)
    r_j = jnp.take(coords, j, axis=0)
    r_k = jnp.take(coords, k, axis=0)
    r_l = jnp.take(coords, l, axis=0)
    b1 = r_j - r_i
    b2 = r_k - r_j
    b3 = r_l - r_k
    n1 = jnp.cross(b1, b2)
    n2 = jnp.cross(b2, b3)
    n1_norm = jnp.linalg.norm(n1, axis=1)
    n2_norm = jnp.linalg.norm(n2, axis=1)
    cosval = jnp.sum(n1 * n2, axis=1) / (n1_norm * n2_norm)
    cosval = jnp.clip(cosval, -0.999999999, 0.99999999)
    phi = jnp.arccos(cosval)
    sign = jnp.sign(jnp.sum(n1 * b3, axis=1))
    phi = jnp.where(sign > 0, phi, -phi)
    return phi


def reference(coords, torsions, fc, periodicity, phase):
    phi = _compute_torsion(coords, torsions)
    ene = fc * (1.0 + jnp.cos(periodicity * phi - phase))
    return jnp.sum(ene)

if __name__ == "__main__":
    import jax
    _d = setup_inputs()
    print(jax.jit(kernel)(*tuple(_d.values())))

</pallas_src>

<mosaic_0001>
#map = affine_map<(d0, d1) -> (0, 0)>
#map1 = affine_map<(d0, d1) -> (0)>
module attributes {stable_mosaic.version = 14 : i64} {
  func.func @torsion_kernel(%arg0: i32, %arg1: i32, %arg2: memref<100096x8xf32, #tpu.memory_space<hbm>>, %arg3: memref<15872x128xi32, #tpu.memory_space<hbm>>, %arg4: memref<507904xf32, #tpu.memory_space<hbm>>, %arg5: memref<507904xf32, #tpu.memory_space<hbm>>, %arg6: memref<507904xf32, #tpu.memory_space<hbm>>, %arg7: memref<32x16xf32, #tpu.memory_space<hbm>>, %arg8: memref<16x128xi32, #tpu.memory_space<vmem>>, %arg9: memref<2048x8xf32, #tpu.memory_space<vmem>>, %arg10: memref<512xf32, #tpu.memory_space<vmem>>, %arg11: memref<512xf32, #tpu.memory_space<vmem>>, %arg12: memref<512xf32, #tpu.memory_space<vmem>>, %arg13: memref<16xf32, #tpu.memory_space<vmem>>, %arg14: memref<100096x8xf32, #tpu.memory_space<vmem_shared>>, %arg15: memref<!tpu.dma_semaphore, #tpu.memory_space<semaphore_mem>>) attributes {dimension_semantics = [#tpu.dimension_semantics<core_parallel>, #tpu.dimension_semantics<subcore_parallel>], iteration_bounds = array<i64: 2, 16>, scalar_prefetch = 0 : i64, scratch_operands = 8 : i64, tpu.core_type = #tpu.core_type<sc_vector_subcore>, window_params = [{transform_indices = #map}, {transform_indices = #map}, {transform_indices = #map1}, {transform_indices = #map1}, {transform_indices = #map1}, {transform_indices = #map}]} {
    %mul3A = arith.constant 2 : i32
    %mul3A_0 = arith.muli %arg1, %mul3A : i32
    %add3A = arith.addi %mul3A_0, %arg0 : i32
    %mul3A_1 = arith.constant 15872 : i32
    %mul3A_2 = arith.muli %add3A, %mul3A_1 : i32
    %broadcast_in_dim3A = arith.constant 0.000000e+00 : f32
    %broadcast_in_dim3A_3 = vector.broadcast %broadcast_in_dim3A : f32 to vector<16xf32>
    %swap3A = arith.constant 0 : index
    %swap3A_4 = tpu.vector_load %arg13[%swap3A] {strides = array<i32>} : memref<16xf32, #tpu.memory_space<vmem>>, vector<16xf32>,
    tpu.vector_store %arg13[%swap3A], %broadcast_in_dim3A_3 {strides = array<i32>} : memref<16xf32, #tpu.memory_space<vmem>>, vector<16xf32>,
    %mul3A_5 = arith.constant 6256 : i32
    %mul3A_6 = arith.muli %arg1, %mul3A_5 : i32
    %multiple_of3A = tpu.assume_multiple %mul3A_6, 8 : i32
    "tpu.region"() ({
      %run_scoped3A = tpu.sem_alloc : memref<!tpu.dma_semaphore, #tpu.memory_space<semaphore_mem>>
      %dma_start3A = arith.constant 0 : i32
      %dma_start3A_12 = tpu.memref_slice %arg14[%multiple_of3A, %dma_start3A] : memref<100096x8xf32, #tpu.memory_space<vmem_shared>> -> memref<6256x8xf32, #tpu.memory_space<vmem_shared>>
      %dma_start3A_13 = arith.constant 0 : i32
      %dma_start3A_14 = tpu.memref_slice %arg2[%multiple_of3A, %dma_start3A_13] : memref<100096x8xf32, #tpu.memory_space<hbm>> -> memref<6256x8xf32, #tpu.memory_space<hbm>>
      tpu.enqueue_dma source(%dma_start3A_14 : memref<6256x8xf32, #tpu.memory_space<hbm>>) target(%dma_start3A_12 : memref<6256x8xf32, #tpu.memory_space<vmem_shared>>) target_semaphore(%run_scoped3A : memref<!tpu.dma_semaphore, #tpu.memory_space<semaphore_mem>>)
      %dma_wait3A = arith.constant 0 : i32
      %dma_wait3A_15 = tpu.memref_slice %arg14[%multiple_of3A, %dma_wait3A] : memref<100096x8xf32, #tpu.memory_space<vmem_shared>> -> memref<6256x8xf32, #tpu.memory_space<vmem_shared>>
      %dma_wait3A_16 = arith.constant 0 : i32
      %dma_wait3A_17 = tpu.memref_slice %arg2[%multiple_of3A, %dma_wait3A_16] : memref<100096x8xf32, #tpu.memory_space<hbm>> -> memref<6256x8xf32, #tpu.memory_space<hbm>>
      tpu.wait_dma2 semaphore(%run_scoped3A : memref<!tpu.dma_semaphore, #tpu.memory_space<semaphore_mem>>) src(%dma_wait3A_17 : memref<6256x8xf32, #tpu.memory_space<hbm>>) dst(%dma_wait3A_15 : memref<6256x8xf32, #tpu.memory_space<vmem_shared>>)
      tpu.yield
    }) : () -> ()
    %barrier3A = arith.constant 0 : index
    tpu.barrier barrier_id(%barrier3A)
    %scan3A = arith.constant 0 : i32
    %scan3A_7 = arith.constant 0 : i32
    %scan3A_8 = arith.constant 31 : i32
    %scan3A_9 = arith.addi %scan3A_7, %scan3A_8 : i32
    %scan3A_10 = arith.constant 1 : i32
    scf.for %scan3A_12 = %scan3A_7 to %scan3A_9 step %scan3A_10  : i32 {
      %mul3A_13 = arith.constant 512 : i32
      %mul3A_14 = arith.muli %scan3A_12, %mul3A_13 : i32
      %add3A_15 = arith.addi %mul3A_2, %mul3A_14 : i32
      %multiple_of3A_16 = tpu.assume_multiple %add3A_15, 512 : i32
      %mul3A_17 = arith.constant 496 : i32
      %mul3A_18 = arith.muli %add3A, %mul3A_17 : i32
      %mul3A_19 = arith.constant 16 : i32
      %mul3A_20 = arith.muli %scan3A_12, %mul3A_19 : i32
      %add3A_21 = arith.addi %mul3A_18, %mul3A_20 : i32
      %multiple_of3A_22 = tpu.assume_multiple %add3A_21, 8 : i32
      "tpu.region"() ({
        %run_scoped3A = tpu.sem_alloc : memref<!tpu.dma_semaphore, #tpu.memory_space<semaphore_mem>>
        %dma_start3A_347 = tpu.memref_slice %arg4[%multiple_of3A_16] : memref<507904xf32, #tpu.memory_space<hbm>> -> memref<512xf32, #tpu.memory_space<hbm>>
        %dma_start3A_348 = tpu.memref_slice %arg4[%multiple_of3A_16] : memref<507904xf32, #tpu.memory_space<hbm>> -> memref<512xf32, #tpu.memory_space<hbm>>
        tpu.enqueue_dma source(%dma_start3A_348 : memref<512xf32, #tpu.memory_space<hbm>>) target(%arg10 : memref<512xf32, #tpu.memory_space<vmem>>) target_semaphore(%run_scoped3A : memref<!tpu.dma_semaphore, #tpu.memory_space<semaphore_mem>>)
        %dma_wait3A_349 = tpu.memref_slice %arg4[%multiple_of3A_16] : memref<507904xf32, #tpu.memory_space<hbm>> -> memref<512xf32, #tpu.memory_space<hbm>>
        %dma_wait3A_350 = tpu.memref_slice %arg4[%multiple_of3A_16] : memref<507904xf32, #tpu.memory_space<hbm>> -> memref<512xf32, #tpu.memory_space<hbm>>
        tpu.wait_dma2 semaphore(%run_scoped3A : memref<!tpu.dma_semaphore, #tpu.memory_space<semaphore_mem>>) src(%dma_wait3A_350 : memref<512xf32, #tpu.memory_space<hbm>>) dst(%arg10 : memref<512xf32, #tpu.memory_space<vmem>>)
        tpu.yield
      }) : () -> ()
      "tpu.region"() ({
        %run_scoped3A = tpu.sem_alloc : memref<!tpu.dma_semaphore, #tpu.memory_space<semaphore_mem>>
        %dma_start3A_347 = tpu.memref_slice %arg5[%multiple_of3A_16] : memref<507904xf32, #tpu.memory_space<hbm>> -> memref<512xf32, #tpu.memory_space<hbm>>
        %dma_start3A_348 = tpu.memref_slice %arg5[%multiple_of3A_16] : memref<507904xf32, #tpu.memory_space<hbm>> -> memref<512xf32, #tpu.memory_space<hbm>>
        tpu.enqueue_dma source(%dma_start3A_348 : memref<512xf32, #tpu.memory_space<hbm>>) target(%arg11 : memref<512xf32, #tpu.memory_space<vmem>>) target_semaphore(%run_scoped3A : memref<!tpu.dma_semaphore, #tpu.memory_space<semaphore_mem>>)
        %dma_wait3A_349 = tpu.memref_slice %arg5[%multiple_of3A_16] : memref<507904xf32, #tpu.memory_space<hbm>> -> memref<512xf32, #tpu.memory_space<hbm>>
        %dma_wait3A_350 = tpu.memref_slice %arg5[%multiple_of3A_16] : memref<507904xf32, #tpu.memory_space<hbm>> -> memref<512xf32, #tpu.memory_space<hbm>>
        tpu.wait_dma2 semaphore(%run_scoped3A : memref<!tpu.dma_semaphore, #tpu.memory_space<semaphore_mem>>) src(%dma_wait3A_350 : memref<512xf32, #tpu.memory_space<hbm>>) dst(%arg11 : memref<512xf32, #tpu.memory_space<vmem>>)
        tpu.yield
      }) : () -> ()
      "tpu.region"() ({
        %run_scoped3A = tpu.sem_alloc : memref<!tpu.dma_semaphore, #tpu.memory_space<semaphore_mem>>
        %dma_start3A_347 = tpu.memref_slice %arg6[%multiple_of3A_16] : memref<507904xf32, #tpu.memory_space<hbm>> -> memref<512xf32, #tpu.memory_space<hbm>>
        %dma_start3A_348 = tpu.memref_slice %arg6[%multiple_of3A_16] : memref<507904xf32, #tpu.memory_space<hbm>> -> memref<512xf32, #tpu.memory_space<hbm>>
        tpu.enqueue_dma source(%dma_start3A_348 : memref<512xf32, #tpu.memory_space<hbm>>) target(%arg12 : memref<512xf32, #tpu.memory_space<vmem>>) target_semaphore(%run_scoped3A : memref<!tpu.dma_semaphore, #tpu.memory_space<semaphore_mem>>)
        %dma_wait3A_349 = tpu.memref_slice %arg6[%multiple_of3A_16] : memref<507904xf32, #tpu.memory_space<hbm>> -> memref<512xf32, #tpu.memory_space<hbm>>
        %dma_wait3A_350 = tpu.memref_slice %arg6[%multiple_of3A_16] : memref<507904xf32, #tpu.memory_space<hbm>> -> memref<512xf32, #tpu.memory_space<hbm>>
        tpu.wait_dma2 semaphore(%run_scoped3A : memref<!tpu.dma_semaphore, #tpu.memory_space<semaphore_mem>>) src(%dma_wait3A_350 : memref<512xf32, #tpu.memory_space<hbm>>) dst(%arg12 : memref<512xf32, #tpu.memory_space<vmem>>)
        tpu.yield
      }) : () -> ()
      "tpu.region"() ({
        %run_scoped3A = tpu.sem_alloc : memref<!tpu.dma_semaphore, #tpu.memory_space<semaphore_mem>>
        %dma_start3A_347 = arith.constant 0 : i32
        %dma_start3A_348 = tpu.memref_slice %arg3[%multiple_of3A_22, %dma_start3A_347] : memref<15872x128xi32, #tpu.memory_space<hbm>> -> memref<16x128xi32, #tpu.memory_space<hbm>>
        %dma_start3A_349 = arith.constant 0 : i32
        %dma_start3A_350 = tpu.memref_slice %arg3[%multiple_of3A_22, %dma_start3A_349] : memref<15872x128xi32, #tpu.memory_space<hbm>> -> memref<16x128xi32, #tpu.memory_space<hbm>>
        tpu.enqueue_dma source(%dma_start3A_350 : memref<16x128xi32, #tpu.memory_space<hbm>>) target(%arg8 : memref<16x128xi32, #tpu.memory_space<vmem>>) target_semaphore(%run_scoped3A : memref<!tpu.dma_semaphore, #tpu.memory_space<semaphore_mem>>)
        %dma_wait3A_351 = arith.constant 0 : i32
        %dma_wait3A_352 = tpu.memref_slice %arg3[%multiple_of3A_22, %dma_wait3A_351] : memref<15872x128xi32, #tpu.memory_space<hbm>> -> memref<16x128xi32, #tpu.memory_space<hbm>>
        %dma_wait3A_353 = arith.constant 0 : i32
        %dma_wait3A_354 = tpu.memref_slice %arg3[%multiple_of3A_22, %dma_wait3A_353] : memref<15872x128xi32, #tpu.memory_space<hbm>> -> memref<16x128xi32, #tpu.memory_space<hbm>>
        tpu.wait_dma2 semaphore(%run_scoped3A : memref<!tpu.dma_semaphore, #tpu.memory_space<semaphore_mem>>) src(%dma_wait3A_354 : memref<16x128xi32, #tpu.memory_space<hbm>>) dst(%arg8 : memref<16x128xi32, #tpu.memory_space<vmem>>)
        tpu.yield
      }) : () -> ()
      %dma_start3A = arith.constant 0 : i32
      %dma_start3A_23 = arith.constant 0 : i32
      %dma_start3A_24 = arith.constant 0 : i32
      %dma_start3A_25 = tpu.memref_slice %arg9[%dma_start3A_23, %dma_start3A_24] : memref<2048x8xf32, #tpu.memory_space<vmem>> -> memref<128x8xf32, #tpu.memory_space<vmem>>
      %dma_start3A_26 = arith.constant 0 : i32
      %dma_start3A_27 = tpu.memref_slice %arg8[%dma_start3A, %dma_start3A_26] : memref<16x128xi32, #tpu.memory_space<vmem>> -> memref<1x128xi32, #tpu.memory_space<vmem>>
      %dma_start3A_28 = tpu.memref_squeeze %dma_start3A_27 : memref<1x128xi32, #tpu.memory_space<vmem>> -> memref<128xi32, #tpu.memory_space<vmem>>
      %dma_start3A_29 = arith.constant 0 : i32
      %dma_start3A_30 = arith.constant 0 : i32
      %dma_start3A_31 = tpu.memref_slice %arg14[%dma_start3A_29, %dma_start3A_30] : memref<100096x8xf32, #tpu.memory_space<vmem_shared>> -> memref<100096x8xf32, #tpu.memory_space<vmem_shared>>
      tpu.enqueue_indirect_dma source(%dma_start3A_31 : memref<100096x8xf32, #tpu.memory_space<vmem_shared>>) target(%dma_start3A_25 : memref<128x8xf32, #tpu.memory_space<vmem>>) offsets(%dma_start3A_28 : memref<128xi32, #tpu.memory_space<vmem>>) semaphore(%arg15 : memref<!tpu.dma_semaphore, #tpu.memory_space<semaphore_mem>>)
      %dma_start3A_32 = arith.constant 1 : i32
      %dma_start3A_33 = arith.constant 128 : i32
      %dma_start3A_34 = arith.constant 0 : i32
      %dma_start3A_35 = tpu.memref_slice %arg9[%dma_start3A_33, %dma_start3A_34] : memref<2048x8xf32, #tpu.memory_space<vmem>> -> memref<128x8xf32, #tpu.memory_space<vmem>>
      %dma_start3A_36 = arith.constant 0 : i32
      %dma_start3A_37 = tpu.memref_slice %arg8[%dma_start3A_32, %dma_start3A_36] : memref<16x128xi32, #tpu.memory_space<vmem>> -> memref<1x128xi32, #tpu.memory_space<vmem>>
      %dma_start3A_38 = tpu.memref_squeeze %dma_start3A_37 : memref<1x128xi32, #tpu.memory_space<vmem>> -> memref<128xi32, #tpu.memory_space<vmem>>
      %dma_start3A_39 = arith.constant 0 : i32
      %dma_start3A_40 = arith.constant 0 : i32
      %dma_start3A_41 = tpu.memref_slice %arg14[%dma_start3A_39, %dma_start3A_40] : memref<100096x8xf32, #tpu.memory_space<vmem_shared>> -> memref<100096x8xf32, #tpu.memory_space<vmem_shared>>
      tpu.enqueue_indirect_dma source(%dma_start3A_41 : memref<100096x8xf32, #tpu.memory_space<vmem_shared>>) target(%dma_start3A_35 : memref<128x8xf32, #tpu.memory_space<vmem>>) offsets(%dma_start3A_38 : memref<128xi32, #tpu.memory_space<vmem>>) semaphore(%arg15 : memref<!tpu.dma_semaphore, #tpu.memory_space<semaphore_mem>>)
      %dma_start3A_42 = arith.constant 2 : i32
      %dma_start3A_43 = arith.constant 256 : i32
      %dma_start3A_44 = arith.constant 0 : i32
      %dma_start3A_45 = tpu.memref_slice %arg9[%dma_start3A_43, %dma_start3A_44] : memref<2048x8xf32, #tpu.memory_space<vmem>> -> memref<128x8xf32, #tpu.memory_space<vmem>>
      %dma_start3A_46 = arith.constant 0 : i32
      %dma_start3A_47 = tpu.memref_slice %arg8[%dma_start3A_42, %dma_start3A_46] : memref<16x128xi32, #tpu.memory_space<vmem>> -> memref<1x128xi32, #tpu.memory_space<vmem>>
      %dma_start3A_48 = tpu.memref_squeeze %dma_start3A_47 : memref<1x128xi32, #tpu.memory_space<vmem>> -> memref<128xi32, #tpu.memory_space<vmem>>
      %dma_start3A_49 = arith.constant 0 : i32
      %dma_start3A_50 = arith.constant 0 : i32
      %dma_start3A_51 = tpu.memref_slice %arg14[%dma_start3A_49, %dma_start3A_50] : memref<100096x8xf32, #tpu.memory_space<vmem_shared>> -> memref<100096x8xf32, #tpu.memory_space<vmem_shared>>
      tpu.enqueue_indirect_dma source(%dma_start3A_51 : memref<100096x8xf32, #tpu.memory_space<vmem_shared>>) target(%dma_start3A_45 : memref<128x8xf32, #tpu.memory_space<vmem>>) offsets(%dma_start3A_48 : memref<128xi32, #tpu.memory_space<vmem>>) semaphore(%arg15 : memref<!tpu.dma_semaphore, #tpu.memory_space<semaphore_mem>>)
      %dma_start3A_52 = arith.constant 3 : i32
      %dma_start3A_53 = arith.constant 384 : i32
      %dma_start3A_54 = arith.constant 0 : i32
      %dma_start3A_55 = tpu.memref_slice %arg9[%dma_start3A_53, %dma_start3A_54] : memref<2048x8xf32, #tpu.memory_space<vmem>> -> memref<128x8xf32, #tpu.memory_space<vmem>>
      %dma_start3A_56 = arith.constant 0 : i32
      %dma_start3A_57 = tpu.memref_slice %arg8[%dma_start3A_52, %dma_start3A_56] : memref<16x128xi32, #tpu.memory_space<vmem>> -> memref<1x128xi32, #tpu.memory_space<vmem>>
      %dma_start3A_58 = tpu.memref_squeeze %dma_start3A_57 : memref<1x128xi32, #tpu.memory_space<vmem>> -> memref<128xi32, #tpu.memory_space<vmem>>
      %dma_start3A_59 = arith.constant 0 : i32
      %dma_start3A_60 = arith.constant 0 : i32
      %dma_start3A_61 = tpu.memref_slice %arg14[%dma_start3A_59, %dma_start3A_60] : memref<100096x8xf32, #tpu.memory_space<vmem_shared>> -> memref<100096x8xf32, #tpu.memory_space<vmem_shared>>
      tpu.enqueue_indirect_dma source(%dma_start3A_61 : memref<100096x8xf32, #tpu.memory_space<vmem_shared>>) target(%dma_start3A_55 : memref<128x8xf32, #tpu.memory_space<vmem>>) offsets(%dma_start3A_58 : memref<128xi32, #tpu.memory_space<vmem>>) semaphore(%arg15 : memref<!tpu.dma_semaphore, #tpu.memory_space<semaphore_mem>>)
      %dma_start3A_62 = arith.constant 4 : i32
      %dma_start3A_63 = arith.constant 512 : i32
      %dma_start3A_64 = arith.constant 0 : i32
      %dma_start3A_65 = tpu.memref_slice %arg9[%dma_start3A_63, %dma_start3A_64] : memref<2048x8xf32, #tpu.memory_space<vmem>> -> memref<128x8xf32, #tpu.memory_space<vmem>>
      %dma_start3A_66 = arith.constant 0 : i32
      %dma_start3A_67 = tpu.memref_slice %arg8[%dma_start3A_62, %dma_start3A_66] : memref<16x128xi32, #tpu.memory_space<vmem>> -> memref<1x128xi32, #tpu.memory_space<vmem>>
      %dma_start3A_68 = tpu.memref_squeeze %dma_start3A_67 : memref<1x128xi32, #tpu.memory_space<vmem>> -> memref<128xi32, #tpu.memory_space<vmem>>
      %dma_start3A_69 = arith.constant 0 : i32
      %dma_start3A_70 = arith.constant 0 : i32
      %dma_start3A_71 = tpu.memref_slice %arg14[%dma_start3A_69, %dma_start3A_70] : memref<100096x8xf32, #tpu.memory_space<vmem_shared>> -> memref<100096x8xf32, #tpu.memory_space<vmem_shared>>
      tpu.enqueue_indirect_dma source(%dma_start3A_71 : memref<100096x8xf32, #tpu.memory_space<vmem_shared>>) target(%dma_start3A_65 : memref<128x8xf32, #tpu.memory_space<vmem>>) offsets(%dma_start3A_68 : memref<128xi32, #tpu.memory_space<vmem>>) semaphore(%arg15 : memref<!tpu.dma_semaphore, #tpu.memory_space<semaphore_mem>>)
      %dma_start3A_72 = arith.constant 5 : i32
      %dma_start3A_73 = arith.constant 640 : i32
      %dma_start3A_74 = arith.constant 0 : i32
      %dma_start3A_75 = tpu.memref_slice %arg9[%dma_start3A_73, %dma_start3A_74] : memref<2048x8xf32, #tpu.memory_space<vmem>> -> memref<128x8xf32, #tpu.memory_space<vmem>>
      %dma_start3A_76 = arith.constant 0 : i32
      %dma_start3A_77 = tpu.memref_slice %arg8[%dma_start3A_72, %dma_start3A_76] : memref<16x128xi32, #tpu.memory_space<vmem>> -> memref<1x128xi32, #tpu.memory_space<vmem>>
      %dma_start3A_78 = tpu.memref_squeeze %dma_start3A_77 : memref<1x128xi32, #tpu.memory_space<vmem>> -> memref<128xi32, #tpu.memory_space<vmem>>
      %dma_start3A_79 = arith.constant 0 : i32
      %dma_start3A_80 = arith.constant 0 : i32
      %dma_start3A_81 = tpu.memref_slice %arg14[%dma_start3A_79, %dma_start3A_80] : memref<100096x8xf32, #tpu.memory_space<vmem_shared>> -> memref<100096x8xf32, #tpu.memory_space<vmem_shared>>
      tpu.enqueue_indirect_dma source(%dma_start3A_81 : memref<100096x8xf32, #tpu.memory_space<vmem_shared>>) target(%dma_start3A_75 : memref<128x8xf32, #tpu.memory_space<vmem>>) offsets(%dma_start3A_78 : memref<128xi32, #tpu.memory_space<vmem>>) semaphore(%arg15 : memref<!tpu.dma_semaphore, #tpu.memory_space<semaphore_mem>>)
      %dma_start3A_82 = arith.constant 6 : i32
      %dma_start3A_83 = arith.constant 768 : i32
      %dma_start3A_84 = arith.constant 0 : i32
      %dma_start3A_85 = tpu.memref_slice %arg9[%dma_start3A_83, %dma_start3A_84] : memref<2048x8xf32, #tpu.memory_space<vmem>> -> memref<128x8xf32, #tpu.memory_space<vmem>>
      %dma_start3A_86 = arith.constant 0 : i32
      %dma_start3A_87 = tpu.memref_slice %arg8[%dma_start3A_82, %dma_start3A_86] : memref<16x128xi32, #tpu.memory_space<vmem>> -> memref<1x128xi32, #tpu.memory_space<vmem>>
      %dma_start3A_88 = tpu.memref_squeeze %dma_start3A_87 : memref<1x128xi32, #tpu.memory_space<vmem>> -> memref<128xi32, #tpu.memory_space<vmem>>
      %dma_start3A_89 = arith.constant 0 : i32
      %dma_start3A_90 = arith.constant 0 : i32
      %dma_start3A_91 = tpu.memref_slice %arg14[%dma_start3A_89, %dma_start3A_90] : memref<100096x8xf32, #tpu.memory_space<vmem_shared>> -> memref<100096x8xf32, #tpu.memory_space<vmem_shared>>
      tpu.enqueue_indirect_dma source(%dma_start3A_91 : memref<100096x8xf32, #tpu.memory_space<vmem_shared>>) target(%dma_start3A_85 : memref<128x8xf32, #tpu.memory_space<vmem>>) offsets(%dma_start3A_88 : memref<128xi32, #tpu.memory_space<vmem>>) semaphore(%arg15 : memref<!tpu.dma_semaphore, #tpu.memory_space<semaphore_mem>>)
      %dma_start3A_92 = arith.constant 7 : i32
      %dma_start3A_93 = arith.constant 896 : i32
      %dma_start3A_94 = arith.constant 0 : i32
      %dma_start3A_95 = tpu.memref_slice %arg9[%dma_start3A_93, %dma_start3A_94] : memref<2048x8xf32, #tpu.memory_space<vmem>> -> memref<128x8xf32, #tpu.memory_space<vmem>>
      %dma_start3A_96 = arith.constant 0 : i32
      %dma_start3A_97 = tpu.memref_slice %arg8[%dma_start3A_92, %dma_start3A_96] : memref<16x128xi32, #tpu.memory_space<vmem>> -> memref<1x128xi32, #tpu.memory_space<vmem>>
      %dma_start3A_98 = tpu.memref_squeeze %dma_start3A_97 : memref<1x128xi32, #tpu.memory_space<vmem>> -> memref<128xi32, #tpu.memory_space<vmem>>
      %dma_start3A_99 = arith.constant 0 : i32
      %dma_start3A_100 = arith.constant 0 : i32
      %dma_start3A_101 = tpu.memref_slice %arg14[%dma_start3A_99, %dma_start3A_100] : memref<100096x8xf32, #tpu.memory_space<vmem_shared>> -> memref<100096x8xf32, #tpu.memory_space<vmem_shared>>
      tpu.enqueue_indirect_dma source(%dma_start3A_101 : memref<100096x8xf32, #tpu.memory_space<vmem_shared>>) target(%dma_start3A_95 : memref<128x8xf32, #tpu.memory_space<vmem>>) offsets(%dma_start3A_98 : memref<128xi32, #tpu.memory_space<vmem>>) semaphore(%arg15 : memref<!tpu.dma_semaphore, #tpu.memory_space<semaphore_mem>>)
      %dma_start3A_102 = arith.constant 8 : i32
      %dma_start3A_103 = arith.constant 1024 : i32
      %dma_start3A_104 = arith.constant 0 : i32
      %dma_start3A_105 = tpu.memref_slice %arg9[%dma_start3A_103, %dma_start3A_104] : memref<2048x8xf32, #tpu.memory_space<vmem>> -> memref<128x8xf32, #tpu.memory_space<vmem>>
      %dma_start3A_106 = arith.constant 0 : i32
      %dma_start3A_107 = tpu.memref_slice %arg8[%dma_start3A_102, %dma_start3A_106] : memref<16x128xi32, #tpu.memory_space<vmem>> -> memref<1x128xi32, #tpu.memory_space<vmem>>
      %dma_start3A_108 = tpu.memref_squeeze %dma_start3A_107 : memref<1x128xi32, #tpu.memory_space<vmem>> -> memref<128xi32, #tpu.memory_space<vmem>>
      %dma_start3A_109 = arith.constant 0 : i32
      %dma_start3A_110 = arith.constant 0 : i32
      %dma_start3A_111 = tpu.memref_slice %arg14[%dma_start3A_109, %dma_start3A_110] : memref<100096x8xf32, #tpu.memory_space<vmem_shared>> -> memref<100096x8xf32, #tpu.memory_space<vmem_shared>>
      tpu.enqueue_indirect_dma source(%dma_start3A_111 : memref<100096x8xf32, #tpu.memory_space<vmem_shared>>) target(%dma_start3A_105 : memref<128x8xf32, #tpu.memory_space<vmem>>) offsets(%dma_start3A_108 : memref<128xi32, #tpu.memory_space<vmem>>) semaphore(%arg15 : memref<!tpu.dma_semaphore, #tpu.memory_space<semaphore_mem>>)
      %dma_start3A_112 = arith.constant 9 : i32
      %dma_start3A_113 = arith.constant 1152 : i32
      %dma_start3A_114 = arith.constant 0 : i32
      %dma_start3A_115 = tpu.memref_slice %arg9[%dma_start3A_113, %dma_start3A_114] : memref<2048x8xf32, #tpu.memory_space<vmem>> -> memref<128x8xf32, #tpu.memory_space<vmem>>
      %dma_start3A_116 = arith.constant 0 : i32
      %dma_start3A_117 = tpu.memref_slice %arg8[%dma_start3A_112, %dma_start3A_116] : memref<16x128xi32, #tpu.memory_space<vmem>> -> memref<1x128xi32, #tpu.memory_space<vmem>>
      %dma_start3A_118 = tpu.memref_squeeze %dma_start3A_117 : memref<1x128xi32, #tpu.memory_space<vmem>> -> memref<128xi32, #tpu.memory_space<vmem>>
      %dma_start3A_119 = arith.constant 0 : i32
      %dma_start3A_120 = arith.constant 0 : i32
      %dma_start3A_121 = tpu.memref_slice %arg14[%dma_start3A_119, %dma_start3A_120] : memref<100096x8xf32, #tpu.memory_space<vmem_shared>> -> memref<100096x8xf32, #tpu.memory_space<vmem_shared>>
      tpu.enqueue_indirect_dma source(%dma_start3A_121 : memref<100096x8xf32, #tpu.memory_space<vmem_shared>>) target(%dma_start3A_115 : memref<128x8xf32, #tpu.memory_space<vmem>>) offsets(%dma_start3A_118 : memref<128xi32, #tpu.memory_space<vmem>>) semaphore(%arg15 : memref<!tpu.dma_semaphore, #tpu.memory_space<semaphore_mem>>)
      %dma_start3A_122 = arith.constant 10 : i32
      %dma_start3A_123 = arith.constant 1280 : i32
      %dma_start3A_124 = arith.constant 0 : i32
      %dma_start3A_125 = tpu.memref_slice %arg9[%dma_start3A_123, %dma_start3A_124] : memref<2048x8xf32, #tpu.memory_space<vmem>> -> memref<128x8xf32, #tpu.memory_space<vmem>>
      %dma_start3A_126 = arith.constant 0 : i32
      %dma_start3A_127 = tpu.memref_slice %arg8[%dma_start3A_122, %dma_start3A_126] : memref<16x128xi32, #tpu.memory_space<vmem>> -> memref<1x128xi32, #tpu.memory_space<vmem>>
      %dma_start3A_128 = tpu.memref_squeeze %dma_start3A_127 : memref<1x128xi32, #tpu.memory_space<vmem>> -> memref<128xi32, #tpu.memory_space<vmem>>
      %dma_start3A_129 = arith.constant 0 : i32
      %dma_start3A_130 = arith.constant 0 : i32
      %dma_start3A_131 = tpu.memref_slice %arg14[%dma_start3A_129, %dma_start3A_130] : memref<100096x8xf32, #tpu.memory_space<vmem_shared>> -> memref<100096x8xf32, #tpu.memory_space<vmem_shared>>
      tpu.enqueue_indirect_dma source(%dma_start3A_131 : memref<100096x8xf32, #tpu.memory_space<vmem_shared>>) target(%dma_start3A_125 : memref<128x8xf32, #tpu.memory_space<vmem>>) offsets(%dma_start3A_128 : memref<128xi32, #tpu.memory_space<vmem>>) semaphore(%arg15 : memref<!tpu.dma_semaphore, #tpu.memory_space<semaphore_mem>>)
      %dma_start3A_132 = arith.constant 11 : i32
      %dma_start3A_133 = arith.constant 1408 : i32
      %dma_start3A_134 = arith.constant 0 : i32
      %dma_start3A_135 = tpu.memref_slice %arg9[%dma_start3A_133, %dma_start3A_134] : memref<2048x8xf32, #tpu.memory_space<vmem>> -> memref<128x8xf32, #tpu.memory_space<vmem>>
      %dma_start3A_136 = arith.constant 0 : i32
      %dma_start3A_137 = tpu.memref_slice %arg8[%dma_start3A_132, %dma_start3A_136] : memref<16x128xi32, #tpu.memory_space<vmem>> -> memref<1x128xi32, #tpu.memory_space<vmem>>
      %dma_start3A_138 = tpu.memref_squeeze %dma_start3A_137 : memref<1x128xi32, #tpu.memory_space<vmem>> -> memref<128xi32, #tpu.memory_space<vmem>>
      %dma_start3A_139 = arith.constant 0 : i32
      %dma_start3A_140 = arith.constant 0 : i32
      %dma_start3A_141 = tpu.memref_slice %arg14[%dma_start3A_139, %dma_start3A_140] : memref<100096x8xf32, #tpu.memory_space<vmem_shared>> -> memref<100096x8xf32, #tpu.memory_space<vmem_shared>>
      tpu.enqueue_indirect_dma source(%dma_start3A_141 : memref<100096x8xf32, #tpu.memory_space<vmem_shared>>) target(%dma_start3A_135 : memref<128x8xf32, #tpu.memory_space<vmem>>) offsets(%dma_start3A_138 : memref<128xi32, #tpu.memory_space<vmem>>) semaphore(%arg15 : memref<!tpu.dma_semaphore, #tpu.memory_space<semaphore_mem>>)
      %dma_start3A_142 = arith.constant 12 : i32
      %dma_start3A_143 = arith.constant 1536 : i32
      %dma_start3A_144 = arith.constant 0 : i32
      %dma_start3A_145 = tpu.memref_slice %arg9[%dma_start3A_143, %dma_start3A_144] : memref<2048x8xf32, #tpu.memory_space<vmem>> -> memref<128x8xf32, #tpu.memory_space<vmem>>
      %dma_start3A_146 = arith.constant 0 : i32
      %dma_start3A_147 = tpu.memref_slice %arg8[%dma_start3A_142, %dma_start3A_146] : memref<16x128xi32, #tpu.memory_space<vmem>> -> memref<1x128xi32, #tpu.memory_space<vmem>>
      %dma_start3A_148 = tpu.memref_squeeze %dma_start3A_147 : memref<1x128xi32, #tpu.memory_space<vmem>> -> memref<128xi32, #tpu.memory_space<vmem>>
      %dma_start3A_149 = arith.constant 0 : i32
      %dma_start3A_150 = arith.constant 0 : i32
      %dma_start3A_151 = tpu.memref_slice %arg14[%dma_start3A_149, %dma_start3A_150] : memref<100096x8xf32, #tpu.memory_space<vmem_shared>> -> memref<100096x8xf32, #tpu.memory_space<vmem_shared>>
      tpu.enqueue_indirect_dma source(%dma_start3A_151 : memref<100096x8xf32, #tpu.memory_space<vmem_shared>>) target(%dma_start3A_145 : memref<128x8xf32, #tpu.memory_space<vmem>>) offsets(%dma_start3A_148 : memref<128xi32, #tpu.memory_space<vmem>>) semaphore(%arg15 : memref<!tpu.dma_semaphore, #tpu.memory_space<semaphore_mem>>)
      %dma_start3A_152 = arith.constant 13 : i32
      %dma_start3A_153 = arith.constant 1664 : i32
      %dma_start3A_154 = arith.constant 0 : i32
      %dma_start3A_155 = tpu.memref_slice %arg9[%dma_start3A_153, %dma_start3A_154] : memref<2048x8xf32, #tpu.memory_space<vmem>> -> memref<128x8xf32, #tpu.memory_space<vmem>>
      %dma_start3A_156 = arith.constant 0 : i32
      %dma_start3A_157 = tpu.memref_slice %arg8[%dma_start3A_152, %dma_start3A_156] : memref<16x128xi32, #tpu.memory_space<vmem>> -> memref<1x128xi32, #tpu.memory_space<vmem>>
      %dma_start3A_158 = tpu.memref_squeeze %dma_start3A_157 : memref<1x128xi32, #tpu.memory_space<vmem>> -> memref<128xi32, #tpu.memory_space<vmem>>
      %dma_start3A_159 = arith.constant 0 : i32
      %dma_start3A_160 = arith.constant 0 : i32
      %dma_start3A_161 = tpu.memref_slice %arg14[%dma_start3A_159, %dma_start3A_160] : memref<100096x8xf32, #tpu.memory_space<vmem_shared>> -> memref<100096x8xf32, #tpu.memory_space<vmem_shared>>
      tpu.enqueue_indirect_dma source(%dma_start3A_161 : memref<100096x8xf32, #tpu.memory_space<vmem_shared>>) target(%dma_start3A_155 : memref<128x8xf32, #tpu.memory_space<vmem>>) offsets(%dma_start3A_158 : memref<128xi32, #tpu.memory_space<vmem>>) semaphore(%arg15 : memref<!tpu.dma_semaphore, #tpu.memory_space<semaphore_mem>>)
      %dma_start3A_162 = arith.constant 14 : i32
      %dma_start3A_163 = arith.constant 1792 : i32
      %dma_start3A_164 = arith.constant 0 : i32
      %dma_start3A_165 = tpu.memref_slice %arg9[%dma_start3A_163, %dma_start3A_164] : memref<2048x8xf32, #tpu.memory_space<vmem>> -> memref<128x8xf32, #tpu.memory_space<vmem>>
      %dma_start3A_166 = arith.constant 0 : i32
      %dma_start3A_167 = tpu.memref_slice %arg8[%dma_start3A_162, %dma_start3A_166] : memref<16x128xi32, #tpu.memory_space<vmem>> -> memref<1x128xi32, #tpu.memory_space<vmem>>
      %dma_start3A_168 = tpu.memref_squeeze %dma_start3A_167 : memref<1x128xi32, #tpu.memory_space<vmem>> -> memref<128xi32, #tpu.memory_space<vmem>>
      %dma_start3A_169 = arith.constant 0 : i32
      %dma_start3A_170 = arith.constant 0 : i32
      %dma_start3A_171 = tpu.memref_slice %arg14[%dma_start3A_169, %dma_start3A_170] : memref<100096x8xf32, #tpu.memory_space<vmem_shared>> -> memref<100096x8xf32, #tpu.memory_space<vmem_shared>>
      tpu.enqueue_indirect_dma source(%dma_start3A_171 : memref<100096x8xf32, #tpu.memory_space<vmem_shared>>) target(%dma_start3A_165 : memref<128x8xf32, #tpu.memory_space<vmem>>) offsets(%dma_start3A_168 : memref<128xi32, #tpu.memory_space<vmem>>) semaphore(%arg15 : memref<!tpu.dma_semaphore, #tpu.memory_space<semaphore_mem>>)
      %dma_start3A_172 = arith.constant 15 : i32
      %dma_start3A_173 = arith.constant 1920 : i32
      %dma_start3A_174 = arith.constant 0 : i32
      %dma_start3A_175 = tpu.memref_slice %arg9[%dma_start3A_173, %dma_start3A_174] : memref<2048x8xf32, #tpu.memory_space<vmem>> -> memref<128x8xf32, #tpu.memory_space<vmem>>
      %dma_start3A_176 = arith.constant 0 : i32
      %dma_start3A_177 = tpu.memref_slice %arg8[%dma_start3A_172, %dma_start3A_176] : memref<16x128xi32, #tpu.memory_space<vmem>> -> memref<1x128xi32, #tpu.memory_space<vmem>>
      %dma_start3A_178 = tpu.memref_squeeze %dma_start3A_177 : memref<1x128xi32, #tpu.memory_space<vmem>> -> memref<128xi32, #tpu.memory_space<vmem>>
      %dma_start3A_179 = arith.constant 0 : i32
      %dma_start3A_180 = arith.constant 0 : i32
      %dma_start3A_181 = tpu.memref_slice %arg14[%dma_start3A_179, %dma_start3A_180] : memref<100096x8xf32, #tpu.memory_space<vmem_shared>> -> memref<100096x8xf32, #tpu.memory_space<vmem_shared>>
      tpu.enqueue_indirect_dma source(%dma_start3A_181 : memref<100096x8xf32, #tpu.memory_space<vmem_shared>>) target(%dma_start3A_175 : memref<128x8xf32, #tpu.memory_space<vmem>>) offsets(%dma_start3A_178 : memref<128xi32, #tpu.memory_space<vmem>>) semaphore(%arg15 : memref<!tpu.dma_semaphore, #tpu.memory_space<semaphore_mem>>)
      %dma_wait3A = arith.constant 0 : i32
      %dma_wait3A_182 = arith.constant 0 : i32
      %dma_wait3A_183 = arith.constant 0 : i32
      %dma_wait3A_184 = tpu.memref_slice %arg9[%dma_wait3A_182, %dma_wait3A_183] : memref<2048x8xf32, #tpu.memory_space<vmem>> -> memref<128x8xf32, #tpu.memory_space<vmem>>
      %dma_wait3A_185 = arith.constant 0 : i32
      %dma_wait3A_186 = tpu.memref_slice %arg8[%dma_wait3A, %dma_wait3A_185] : memref<16x128xi32, #tpu.memory_space<vmem>> -> memref<1x128xi32, #tpu.memory_space<vmem>>
      %dma_wait3A_187 = tpu.memref_squeeze %dma_wait3A_186 : memref<1x128xi32, #tpu.memory_space<vmem>> -> memref<128xi32, #tpu.memory_space<vmem>>
      %dma_wait3A_188 = arith.constant 0 : i32
      %dma_wait3A_189 = arith.constant 0 : i32
      %dma_wait3A_190 = tpu.memref_slice %arg14[%dma_wait3A_188, %dma_wait3A_189] : memref<100096x8xf32, #tpu.memory_space<vmem_shared>> -> memref<100096x8xf32, #tpu.memory_space<vmem_shared>>
      tpu.wait_indirect_dma semaphore(%arg15 : memref<!tpu.dma_semaphore, #tpu.memory_space<semaphore_mem>>) src(%dma_wait3A_190 : memref<100096x8xf32, #tpu.memory_space<vmem_shared>>) dst(%dma_wait3A_184 : memref<128x8xf32, #tpu.memory_space<vmem>>)
      %dma_wait3A_191 = arith.constant 1 : i32
      %dma_wait3A_192 = arith.constant 128 : i32
      %dma_wait3A_193 = arith.constant 0 : i32
      %dma_wait3A_194 = tpu.memref_slice %arg9[%dma_wait3A_192, %dma_wait3A_193] : memref<2048x8xf32, #tpu.memory_space<vmem>> -> memref<128x8xf32, #tpu.memory_space<vmem>>
      %dma_wait3A_195 = arith.constant 0 : i32
      %dma_wait3A_196 = tpu.memref_slice %arg8[%dma_wait3A_191, %dma_wait3A_195] : memref<16x128xi32, #tpu.memory_space<vmem>> -> memref<1x128xi32, #tpu.memory_space<vmem>>
      %dma_wait3A_197 = tpu.memref_squeeze %dma_wait3A_196 : memref<1x128xi32, #tpu.memory_space<vmem>> -> memref<128xi32, #tpu.memory_space<vmem>>
      %dma_wait3A_198 = arith.constant 0 : i32
      %dma_wait3A_199 = arith.constant 0 : i32
      %dma_wait3A_200 = tpu.memref_slice %arg14[%dma_wait3A_198, %dma_wait3A_199] : memref<100096x8xf32, #tpu.memory_space<vmem_shared>> -> memref<100096x8xf32, #tpu.memory_space<vmem_shared>>
      tpu.wait_indirect_dma semaphore(%arg15 : memref<!tpu.dma_semaphore, #tpu.memory_space<semaphore_mem>>) src(%dma_wait3A_200 : memref<100096x8xf32, #tpu.memory_space<vmem_shared>>) dst(%dma_wait3A_194 : memref<128x8xf32, #tpu.memory_space<vmem>>)
      %dma_wait3A_201 = arith.constant 2 : i32
      %dma_wait3A_202 = arith.constant 256 : i32
      %dma_wait3A_203 = arith.constant 0 : i32
      %dma_wait3A_204 = tpu.memref_slice %arg9[%dma_wait3A_202, %dma_wait3A_203] : memref<2048x8xf32, #tpu.memory_space<vmem>> -> memref<128x8xf32, #tpu.memory_space<vmem>>
      %dma_wait3A_205 = arith.constant 0 : i32
      %dma_wait3A_206 = tpu.memref_slice %arg8[%dma_wait3A_201, %dma_wait3A_205] : memref<16x128xi32, #tpu.memory_space<vmem>> -> memref<1x128xi32, #tpu.memory_space<vmem>>
      %dma_wait3A_207 = tpu.memref_squeeze %dma_wait3A_206 : memref<1x128xi32, #tpu.memory_space<vmem>> -> memref<128xi32, #tpu.memory_space<vmem>>
      %dma_wait3A_208 = arith.constant 0 : i32
      %dma_wait3A_209 = arith.constant 0 : i32
      %dma_wait3A_210 = tpu.memref_slice %arg14[%dma_wait3A_208, %dma_wait3A_209] : memref<100096x8xf32, #tpu.memory_space<vmem_shared>> -> memref<100096x8xf32, #tpu.memory_space<vmem_shared>>
      tpu.wait_indirect_dma semaphore(%arg15 : memref<!tpu.dma_semaphore, #tpu.memory_space<semaphore_mem>>) src(%dma_wait3A_210 : memref<100096x8xf32, #tpu.memory_space<vmem_shared>>) dst(%dma_wait3A_204 : memref<128x8xf32, #tpu.memory_space<vmem>>)
      %dma_wait3A_211 = arith.constant 3 : i32
      %dma_wait3A_212 = arith.constant 384 : i32
      %dma_wait3A_213 = arith.constant 0 : i32
      %dma_wait3A_214 = tpu.memref_slice %arg9[%dma_wait3A_212, %dma_wait3A_213] : memref<2048x8xf32, #tpu.memory_space<vmem>> -> memref<128x8xf32, #tpu.memory_space<vmem>>
      %dma_wait3A_215 = arith.constant 0 : i32
      %dma_wait3A_216 = tpu.memref_slice %arg8[%dma_wait3A_211, %dma_wait3A_215] : memref<16x128xi32, #tpu.memory_space<vmem>> -> memref<1x128xi32, #tpu.memory_space<vmem>>
      %dma_wait3A_217 = tpu.memref_squeeze %dma_wait3A_216 : memref<1x128xi32, #tpu.memory_space<vmem>> -> memref<128xi32, #tpu.memory_space<vmem>>
      %dma_wait3A_218 = arith.constant 0 : i32
      %dma_wait3A_219 = arith.constant 0 : i32
      %dma_wait3A_220 = tpu.memref_slice %arg14[%dma_wait3A_218, %dma_wait3A_219] : memref<100096x8xf32, #tpu.memory_space<vmem_shared>> -> memref<100096x8xf32, #tpu.memory_space<vmem_shared>>
      tpu.wait_indirect_dma semaphore(%arg15 : memref<!tpu.dma_semaphore, #tpu.memory_space<semaphore_mem>>) src(%dma_wait3A_220 : memref<100096x8xf32, #tpu.memory_space<vmem_shared>>) dst(%dma_wait3A_214 : memref<128x8xf32, #tpu.memory_space<vmem>>)
      %dma_wait3A_221 = arith.constant 4 : i32
      %dma_wait3A_222 = arith.constant 512 : i32
      %dma_wait3A_223 = arith.constant 0 : i32
      %dma_wait3A_224 = tpu.memref_slice %arg9[%dma_wait3A_222, %dma_wait3A_223] : memref<2048x8xf32, #tpu.memory_space<vmem>> -> memref<128x8xf32, #tpu.memory_space<vmem>>
      %dma_wait3A_225 = arith.constant 0 : i32
      %dma_wait3A_226 = tpu.memref_slice %arg8[%dma_wait3A_221, %dma_wait3A_225] : memref<16x128xi32, #tpu.memory_space<vmem>> -> memref<1x128xi32, #tpu.memory_space<vmem>>
      %dma_wait3A_227 = tpu.memref_squeeze %dma_wait3A_226 : memref<1x128xi32, #tpu.memory_space<vmem>> -> memref<128xi32, #tpu.memory_space<vmem>>
      %dma_wait3A_228 = arith.constant 0 : i32
      %dma_wait3A_229 = arith.constant 0 : i32
      %dma_wait3A_230 = tpu.memref_slice %arg14[%dma_wait3A_228, %dma_wait3A_229] : memref<100096x8xf32, #tpu.memory_space<vmem_shared>> -> memref<100096x8xf32, #tpu.memory_space<vmem_shared>>
      tpu.wait_indirect_dma semaphore(%arg15 : memref<!tpu.dma_semaphore, #tpu.memory_space<semaphore_mem>>) src(%dma_wait3A_230 : memref<100096x8xf32, #tpu.memory_space<vmem_shared>>) dst(%dma_wait3A_224 : memref<128x8xf32, #tpu.memory_space<vmem>>)
      %dma_wait3A_231 = arith.constant 5 : i32
      %dma_wait3A_232 = arith.constant 640 : i32
      %dma_wait3A_233 = arith.constant 0 : i32
      %dma_wait3A_234 = tpu.memref_slice %arg9[%dma_wait3A_232, %dma_wait3A_233] : memref<2048x8xf32, #tpu.memory_space<vmem>> -> memref<128x8xf32, #tpu.memory_space<vmem>>
      %dma_wait3A_235 = arith.constant 0 : i32
      %dma_wait3A_236 = tpu.memref_slice %arg8[%dma_wait3A_231, %dma_wait3A_235] : memref<16x128xi32, #tpu.memory_space<vmem>> -> memref<1x128xi32, #tpu.memory_space<vmem>>
      %dma_wait3A_237 = tpu.memref_squeeze %dma_wait3A_236 : memref<1x128xi32, #tpu.memory_space<vmem>> -> memref<128xi32, #tpu.memory_space<vmem>>
      %dma_wait3A_238 = arith.constant 0 : i32
      %dma_wait3A_239 = arith.constant 0 : i32
      %dma_wait3A_240 = tpu.memref_slice %arg14[%dma_wait3A_238, %dma_wait3A_239] : memref<100096x8xf32, #tpu.memory_space<vmem_shared>> -> memref<100096x8xf32, #tpu.memory_space<vmem_shared>>
      tpu.wait_indirect_dma semaphore(%arg15 : memref<!tpu.dma_semaphore, #tpu.memory_space<semaphore_mem>>) src(%dma_wait3A_240 : memref<100096x8xf32, #tpu.memory_space<vmem_shared>>) dst(%dma_wait3A_234 : memref<128x8xf32, #tpu.memory_space<vmem>>)
      %dma_wait3A_241 = arith.constant 6 : i32
      %dma_wait3A_242 = arith.constant 768 : i32
      %dma_wait3A_243 = arith.constant 0 : i32
      %dma_wait3A_244 = tpu.memref_slice %arg9[%dma_wait3A_242, %dma_wait3A_243] : memref<2048x8xf32, #tpu.memory_space<vmem>> -> memref<128x8xf32, #tpu.memory_space<vmem>>
      %dma_wait3A_245 = arith.constant 0 : i32
      %dma_wait3A_246 = tpu.memref_slice %arg8[%dma_wait3A_241, %dma_wait3A_245] : memref<16x128xi32, #tpu.memory_space<vmem>> -> memref<1x128xi32, #tpu.memory_space<vmem>>
      %dma_wait3A_247 = tpu.memref_squeeze %dma_wait3A_246 : memref<1x128xi32, #tpu.memory_space<vmem>> -> memref<128xi32, #tpu.memory_space<vmem>>
      %dma_wait3A_248 = arith.constant 0 : i32
      %dma_wait3A_249 = arith.constant 0 : i32
      %dma_wait3A_250 = tpu.memref_slice %arg14[%dma_wait3A_248, %dma_wait3A_249] : memref<100096x8xf32, #tpu.memory_space<vmem_shared>> -> memref<100096x8xf32, #tpu.memory_space<vmem_shared>>
      tpu.wait_indirect_dma semaphore(%arg15 : memref<!tpu.dma_semaphore, #tpu.memory_space<semaphore_mem>>) src(%dma_wait3A_250 : memref<100096x8xf32, #tpu.memory_space<vmem_shared>>) dst(%dma_wait3A_244 : memref<128x8xf32, #tpu.memory_space<vmem>>)
      %dma_wait3A_251 = arith.constant 7 : i32
      %dma_wait3A_252 = arith.constant 896 : i32
      %dma_wait3A_253 = arith.constant 0 : i32
      %dma_wait3A_254 = tpu.memref_slice %arg9[%dma_wait3A_252, %dma_wait3A_253] : memref<2048x8xf32, #tpu.memory_space<vmem>> -> memref<128x8xf32, #tpu.memory_space<vmem>>
      %dma_wait3A_255 = arith.constant 0 : i32
      %dma_wait3A_256 = tpu.memref_slice %arg8[%dma_wait3A_251, %dma_wait3A_255] : memref<16x128xi32, #tpu.memory_space<vmem>> -> memref<1x128xi32, #tpu.memory_space<vmem>>
      %dma_wait3A_257 = tpu.memref_squeeze %dma_wait3A_256 : memref<1x128xi32, #tpu.memory_space<vmem>> -> memref<128xi32, #tpu.memory_space<vmem>>
      %dma_wait3A_258 = arith.constant 0 : i32
      %dma_wait3A_259 = arith.constant 0 : i32
      %dma_wait3A_260 = tpu.memref_slice %arg14[%dma_wait3A_258, %dma_wait3A_259] : memref<100096x8xf32, #tpu.memory_space<vmem_shared>> -> memref<100096x8xf32, #tpu.memory_space<vmem_shared>>
      tpu.wait_indirect_dma semaphore(%arg15 : memref<!tpu.dma_semaphore, #tpu.memory_space<semaphore_mem>>) src(%dma_wait3A_260 : memref<100096x8xf32, #tpu.memory_space<vmem_shared>>) dst(%dma_wait3A_254 : memref<128x8xf32, #tpu.memory_space<vmem>>)
      %dma_wait3A_261 = arith.constant 8 : i32
      %dma_wait3A_262 = arith.constant 1024 : i32
      %dma_wait3A_263 = arith.constant 0 : i32
      %dma_wait3A_264 = tpu.memref_slice %arg9[%dma_wait3A_262, %dma_wait3A_263] : memref<2048x8xf32, #tpu.memory_space<vmem>> -> memref<128x8xf32, #tpu.memory_space<vmem>>
      %dma_wait3A_265 = arith.constant 0 : i32
      %dma_wait3A_266 = tpu.memref_slice %arg8[%dma_wait3A_261, %dma_wait3A_265] : memref<16x128xi32, #tpu.memory_space<vmem>> -> memref<1x128xi32, #tpu.memory_space<vmem>>
      %dma_wait3A_267 = tpu.memref_squeeze %dma_wait3A_266 : memref<1x128xi32, #tpu.memory_space<vmem>> -> memref<128xi32, #tpu.memory_space<vmem>>
      %dma_wait3A_268 = arith.constant 0 : i32
      %dma_wait3A_269 = arith.constant 0 : i32
      %dma_wait3A_270 = tpu.memref_slice %arg14[%dma_wait3A_268, %dma_wait3A_269] : memref<100096x8xf32, #tpu.memory_space<vmem_shared>> -> memref<100096x8xf32, #tpu.memory_space<vmem_shared>>
      tpu.wait_indirect_dma semaphore(%arg15 : memref<!tpu.dma_semaphore, #tpu.memory_space<semaphore_mem>>) src(%dma_wait3A_270 : memref<100096x8xf32, #tpu.memory_space<vmem_shared>>) dst(%dma_wait3A_264 : memref<128x8xf32, #tpu.memory_space<vmem>>)
      %dma_wait3A_271 = arith.constant 9 : i32
      %dma_wait3A_272 = arith.constant 1152 : i32
      %dma_wait3A_273 = arith.constant 0 : i32
      %dma_wait3A_274 = tpu.memref_slice %arg9[%dma_wait3A_272, %dma_wait3A_273] : memref<2048x8xf32, #tpu.memory_space<vmem>> -> memref<128x8xf32, #tpu.memory_space<vmem>>
      %dma_wait3A_275 = arith.constant 0 : i32
      %dma_wait3A_276 = tpu.memref_slice %arg8[%dma_wait3A_271, %dma_wait3A_275] : memref<16x128xi32, #tpu.memory_space<vmem>> -> memref<1x128xi32, #tpu.memory_space<vmem>>
      %dma_wait3A_277 = tpu.memref_squeeze %dma_wait3A_276 : memref<1x128xi32, #tpu.memory_space<vmem>> -> memref<128xi32, #tpu.memory_space<vmem>>
      %dma_wait3A_278 = arith.constant 0 : i32
      %dma_wait3A_279 = arith.constant 0 : i32
      %dma_wait3A_280 = tpu.memref_slice %arg14[%dma_wait3A_278, %dma_wait3A_279] : memref<100096x8xf32, #tpu.memory_space<vmem_shared>> -> memref<100096x8xf32, #tpu.memory_space<vmem_shared>>
      tpu.wait_indirect_dma semaphore(%arg15 : memref<!tpu.dma_semaphore, #tpu.memory_space<semaphore_mem>>) src(%dma_wait3A_280 : memref<100096x8xf32, #tpu.memory_space<vmem_shared>>) dst(%dma_wait3A_274 : memref<128x8xf32, #tpu.memory_space<vmem>>)
      %dma_wait3A_281 = arith.constant 10 : i32
      %dma_wait3A_282 = arith.constant 1280 : i32
      %dma_wait3A_283 = arith.constant 0 : i32
      %dma_wait3A_284 = tpu.memref_slice %arg9[%dma_wait3A_282, %dma_wait3A_283] : memref<2048x8xf32, #tpu.memory_space<vmem>> -> memref<128x8xf32, #tpu.memory_space<vmem>>
      %dma_wait3A_285 = arith.constant 0 : i32
      %dma_wait3A_286 = tpu.memref_slice %arg8[%dma_wait3A_281, %dma_wait3A_285] : memref<16x128xi32, #tpu.memory_space<vmem>> -> memref<1x128xi32, #tpu.memory_space<vmem>>
      %dma_wait3A_287 = tpu.memref_squeeze %dma_wait3A_286 : memref<1x128xi32, #tpu.memory_space<vmem>> -> memref<128xi32, #tpu.memory_space<vmem>>
      %dma_wait3A_288 = arith.constant 0 : i32
      %dma_wait3A_289 = arith.constant 0 : i32
      %dma_wait3A_290 = tpu.memref_slice %arg14[%dma_wait3A_288, %dma_wait3A_289] : memref<100096x8xf32, #tpu.memory_space<vmem_shared>> -> memref<100096x8xf32, #tpu.memory_space<vmem_shared>>
      tpu.wait_indirect_dma semaphore(%arg15 : memref<!tpu.dma_semaphore, #tpu.memory_space<semaphore_mem>>) src(%dma_wait3A_290 : memref<100096x8xf32, #tpu.memory_space<vmem_shared>>) dst(%dma_wait3A_284 : memref<128x8xf32, #tpu.memory_space<vmem>>)
      %dma_wait3A_291 = arith.constant 11 : i32
      %dma_wait3A_292 = arith.constant 1408 : i32
      %dma_wait3A_293 = arith.constant 0 : i32
      %dma_wait3A_294 = tpu.memref_slice %arg9[%dma_wait3A_292, %dma_wait3A_293] : memref<2048x8xf32, #tpu.memory_space<vmem>> -> memref<128x8xf32, #tpu.memory_space<vmem>>
      %dma_wait3A_295 = arith.constant 0 : i32
      %dma_wait3A_296 = tpu.memref_slice %arg8[%dma_wait3A_291, %dma_wait3A_295] : memref<16x128xi32, #tpu.memory_space<vmem>> -> memref<1x128xi32, #tpu.memory_space<vmem>>
      %dma_wait3A_297 = tpu.memref_squeeze %dma_wait3A_296 : memref<1x128xi32, #tpu.memory_space<vmem>> -> memref<128xi32, #tpu.memory_space<vmem>>
      %dma_wait3A_298 = arith.constant 0 : i32
      %dma_wait3A_299 = arith.constant 0 : i32
      %dma_wait3A_300 = tpu.memref_slice %arg14[%dma_wait3A_298, %dma_wait3A_299] : memref<100096x8xf32, #tpu.memory_space<vmem_shared>> -> memref<100096x8xf32, #tpu.memory_space<vmem_shared>>
      tpu.wait_indirect_dma semaphore(%arg15 : memref<!tpu.dma_semaphore, #tpu.memory_space<semaphore_mem>>) src(%dma_wait3A_300 : memref<100096x8xf32, #tpu.memory_space<vmem_shared>>) dst(%dma_wait3A_294 : memref<128x8xf32, #tpu.memory_space<vmem>>)
      %dma_wait3A_301 = arith.constant 12 : i32
      %dma_wait3A_302 = arith.constant 1536 : i32
      %dma_wait3A_303 = arith.constant 0 : i32
      %dma_wait3A_304 = tpu.memref_slice %arg9[%dma_wait3A_302, %dma_wait3A_303] : memref<2048x8xf32, #tpu.memory_space<vmem>> -> memref<128x8xf32, #tpu.memory_space<vmem>>
      %dma_wait3A_305 = arith.constant 0 : i32
      %dma_wait3A_306 = tpu.memref_slice %arg8[%dma_wait3A_301, %dma_wait3A_305] : memref<16x128xi32, #tpu.memory_space<vmem>> -> memref<1x128xi32, #tpu.memory_space<vmem>>
      %dma_wait3A_307 = tpu.memref_squeeze %dma_wait3A_306 : memref<1x128xi32, #tpu.memory_space<vmem>> -> memref<128xi32, #tpu.memory_space<vmem>>
      %dma_wait3A_308 = arith.constant 0 : i32
      %dma_wait3A_309 = arith.constant 0 : i32
      %dma_wait3A_310 = tpu.memref_slice %arg14[%dma_wait3A_308, %dma_wait3A_309] : memref<100096x8xf32, #tpu.memory_space<vmem_shared>> -> memref<100096x8xf32, #tpu.memory_space<vmem_shared>>
      tpu.wait_indirect_dma semaphore(%arg15 : memref<!tpu.dma_semaphore, #tpu.memory_space<semaphore_mem>>) src(%dma_wait3A_310 : memref<100096x8xf32, #tpu.memory_space<vmem_shared>>) dst(%dma_wait3A_304 : memref<128x8xf32, #tpu.memory_space<vmem>>)
      %dma_wait3A_311 = arith.constant 13 : i32
      %dma_wait3A_312 = arith.constant 1664 : i32
      %dma_wait3A_313 = arith.constant 0 : i32
      %dma_wait3A_314 = tpu.memref_slice %arg9[%dma_wait3A_312, %dma_wait3A_313] : memref<2048x8xf32, #tpu.memory_space<vmem>> -> memref<128x8xf32, #tpu.memory_space<vmem>>
      %dma_wait3A_315 = arith.constant 0 : i32
      %dma_wait3A_316 = tpu.memref_slice %arg8[%dma_wait3A_311, %dma_wait3A_315] : memref<16x128xi32, #tpu.memory_space<vmem>> -> memref<1x128xi32, #tpu.memory_space<vmem>>
      %dma_wait3A_317 = tpu.memref_squeeze %dma_wait3A_316 : memref<1x128xi32, #tpu.memory_space<vmem>> -> memref<128xi32, #tpu.memory_space<vmem>>
      %dma_wait3A_318 = arith.constant 0 : i32
      %dma_wait3A_319 = arith.constant 0 : i32
      %dma_wait3A_320 = tpu.memref_slice %arg14[%dma_wait3A_318, %dma_wait3A_319] : memref<100096x8xf32, #tpu.memory_space<vmem_shared>> -> memref<100096x8xf32, #tpu.memory_space<vmem_shared>>
      tpu.wait_indirect_dma semaphore(%arg15 : memref<!tpu.dma_semaphore, #tpu.memory_space<semaphore_mem>>) src(%dma_wait3A_320 : memref<100096x8xf32, #tpu.memory_space<vmem_shared>>) dst(%dma_wait3A_314 : memref<128x8xf32, #tpu.memory_space<vmem>>)
      %dma_wait3A_321 = arith.constant 14 : i32
      %dma_wait3A_322 = arith.constant 1792 : i32
      %dma_wait3A_323 = arith.constant 0 : i32
      %dma_wait3A_324 = tpu.memref_slice %arg9[%dma_wait3A_322, %dma_wait3A_323] : memref<2048x8xf32, #tpu.memory_space<vmem>> -> memref<128x8xf32, #tpu.memory_space<vmem>>
      %dma_wait3A_325 = arith.constant 0 : i32
      %dma_wait3A_326 = tpu.memref_slice %arg8[%dma_wait3A_321, %dma_wait3A_325] : memref<16x128xi32, #tpu.memory_space<vmem>> -> memref<1x128xi32, #tpu.memory_space<vmem>>
      %dma_wait3A_327 = tpu.memref_squeeze %dma_wait3A_326 : memref<1x128xi32, #tpu.memory_space<vmem>> -> memref<128xi32, #tpu.memory_space<vmem>>
      %dma_wait3A_328 = arith.constant 0 : i32
      %dma_wait3A_329 = arith.constant 0 : i32
      %dma_wait3A_330 = tpu.memref_slice %arg14[%dma_wait3A_328, %dma_wait3A_329] : memref<100096x8xf32, #tpu.memory_space<vmem_shared>> -> memref<100096x8xf32, #tpu.memory_space<vmem_shared>>
      tpu.wait_indirect_dma semaphore(%arg15 : memref<!tpu.dma_semaphore, #tpu.memory_space<semaphore_mem>>) src(%dma_wait3A_330 : memref<100096x8xf32, #tpu.memory_space<vmem_shared>>) dst(%dma_wait3A_324 : memref<128x8xf32, #tpu.memory_space<vmem>>)
      %dma_wait3A_331 = arith.constant 15 : i32
      %dma_wait3A_332 = arith.constant 1920 : i32
      %dma_wait3A_333 = arith.constant 0 : i32
      %dma_wait3A_334 = tpu.memref_slice %arg9[%dma_wait3A_332, %dma_wait3A_333] : memref<2048x8xf32, #tpu.memory_space<vmem>> -> memref<128x8xf32, #tpu.memory_space<vmem>>
      %dma_wait3A_335 = arith.constant 0 : i32
      %dma_wait3A_336 = tpu.memref_slice %arg8[%dma_wait3A_331, %dma_wait3A_335] : memref<16x128xi32, #tpu.memory_space<vmem>> -> memref<1x128xi32, #tpu.memory_space<vmem>>
      %dma_wait3A_337 = tpu.memref_squeeze %dma_wait3A_336 : memref<1x128xi32, #tpu.memory_space<vmem>> -> memref<128xi32, #tpu.memory_space<vmem>>
      %dma_wait3A_338 = arith.constant 0 : i32
      %dma_wait3A_339 = arith.constant 0 : i32
      %dma_wait3A_340 = tpu.memref_slice %arg14[%dma_wait3A_338, %dma_wait3A_339] : memref<100096x8xf32, #tpu.memory_space<vmem_shared>> -> memref<100096x8xf32, #tpu.memory_space<vmem_shared>>
      tpu.wait_indirect_dma semaphore(%arg15 : memref<!tpu.dma_semaphore, #tpu.memory_space<semaphore_mem>>) src(%dma_wait3A_340 : memref<100096x8xf32, #tpu.memory_space<vmem_shared>>) dst(%dma_wait3A_334 : memref<128x8xf32, #tpu.memory_space<vmem>>)
      %scan3A_341 = arith.constant 0 : i32
      %scan3A_342 = arith.constant 0 : i32
      %scan3A_343 = arith.constant 32 : i32
      %scan3A_344 = arith.addi %scan3A_342, %scan3A_343 : i32
      %scan3A_345 = arith.constant 1 : i32
      scf.for %scan3A_347 = %scan3A_342 to %scan3A_344 step %scan3A_345  : i32 {
        %mul3A_348 = arith.constant 64 : i32
        %mul3A_349 = arith.muli %scan3A_347, %mul3A_348 : i32
        %iota3A = tpu.iota {dimensions = array<i32: 0>} : vector<16xi32>
        %mul3A_350 = arith.constant 4 : i32
        %mul3A_351 = vector.broadcast %mul3A_350 : i32 to vector<16xi32>
        %mul3A_352 = arith.muli %iota3A, %mul3A_351 : vector<16xi32>
        %add3A_353 = vector.broadcast %mul3A_349 : i32 to vector<16xi32>
        %add3A_354 = arith.addi %add3A_353, %mul3A_352 : vector<16xi32>
        %broadcast_in_dim3A_355 = arith.constant 0 : i32
        %broadcast_in_dim3A_356 = vector.broadcast %broadcast_in_dim3A_355 : i32 to vector<16xi32>
        %broadcast_in_dim3A_357 = arith.constant 1 : i32
        %broadcast_in_dim3A_358 = vector.broadcast %broadcast_in_dim3A_357 : i32 to vector<16xi32>
        %broadcast_in_dim3A_359 = arith.constant 2 : i32
        %broadcast_in_dim3A_360 = vector.broadcast %broadcast_in_dim3A_359 : i32 to vector<16xi32>
        %add3A_361 = arith.constant 0 : i32
        %add3A_362 = vector.broadcast %add3A_361 : i32 to vector<16xi32>
        %add3A_363 = arith.addi %add3A_354, %add3A_362 : vector<16xi32>
        %gather3A = tpu.vector_load_idx %arg9[%add3A_363, %broadcast_in_dim3A_356] : memref<2048x8xf32, #tpu.memory_space<vmem>>[vector<16xi32>, vector<16xi32>], vector<16xf32>,
        %add3A_364 = arith.constant 0 : i32
        %add3A_365 = vector.broadcast %add3A_364 : i32 to vector<16xi32>
        %add3A_366 = arith.addi %add3A_354, %add3A_365 : vector<16xi32>
        %gather3A_367 = tpu.vector_load_idx %arg9[%add3A_366, %broadcast_in_dim3A_358] : memref<2048x8xf32, #tpu.memory_space<vmem>>[vector<16xi32>, vector<16xi32>], vector<16xf32>,
        %add3A_368 = arith.constant 0 : i32
        %add3A_369 = vector.broadcast %add3A_368 : i32 to vector<16xi32>
        %add3A_370 = arith.addi %add3A_354, %add3A_369 : vector<16xi32>
        %gather3A_371 = tpu.vector_load_idx %arg9[%add3A_370, %broadcast_in_dim3A_360] : memref<2048x8xf32, #tpu.memory_space<vmem>>[vector<16xi32>, vector<16xi32>], vector<16xf32>,
        %add3A_372 = arith.constant 1 : i32
        %add3A_373 = vector.broadcast %add3A_372 : i32 to vector<16xi32>
        %add3A_374 = arith.addi %add3A_354, %add3A_373 : vector<16xi32>
        %gather3A_375 = tpu.vector_load_idx %arg9[%add3A_374, %broadcast_in_dim3A_356] : memref<2048x8xf32, #tpu.memory_space<vmem>>[vector<16xi32>, vector<16xi32>], vector<16xf32>,
        %add3A_376 = arith.constant 1 : i32
        %add3A_377 = vector.broadcast %add3A_376 : i32 to vector<16xi32>
        %add3A_378 = arith.addi %add3A_354, %add3A_377 : vector<16xi32>
        %gather3A_379 = tpu.vector_load_idx %arg9[%add3A_378, %broadcast_in_dim3A_358] : memref<2048x8xf32, #tpu.memory_space<vmem>>[vector<16xi32>, vector<16xi32>], vector<16xf32>,
        %add3A_380 = arith.constant 1 : i32
        %add3A_381 = vector.broadcast %add3A_380 : i32 to vector<16xi32>
        %add3A_382 = arith.addi %add3A_354, %add3A_381 : vector<16xi32>
        %gather3A_383 = tpu.vector_load_idx %arg9[%add3A_382, %broadcast_in_dim3A_360] : memref<2048x8xf32, #tpu.memory_space<vmem>>[vector<16xi32>, vector<16xi32>], vector<16xf32>,
        %add3A_384 = arith.constant 2 : i32
        %add3A_385 = vector.broadcast %add3A_384 : i32 to vector<16xi32>
        %add3A_386 = arith.addi %add3A_354, %add3A_385 : vector<16xi32>
        %gather3A_387 = tpu.vector_load_idx %arg9[%add3A_386, %broadcast_in_dim3A_356] : memref<2048x8xf32, #tpu.memory_space<vmem>>[vector<16xi32>, vector<16xi32>], vector<16xf32>,
        %add3A_388 = arith.constant 2 : i32
        %add3A_389 = vector.broadcast %add3A_388 : i32 to vector<16xi32>
        %add3A_390 = arith.addi %add3A_354, %add3A_389 : vector<16xi32>
        %gather3A_391 = tpu.vector_load_idx %arg9[%add3A_390, %broadcast_in_dim3A_358] : memref<2048x8xf32, #tpu.memory_space<vmem>>[vector<16xi32>, vector<16xi32>], vector<16xf32>,
        %add3A_392 = arith.constant 2 : i32
        %add3A_393 = vector.broadcast %add3A_392 : i32 to vector<16xi32>
        %add3A_394 = arith.addi %add3A_354, %add3A_393 : vector<16xi32>
        %gather3A_395 = tpu.vector_load_idx %arg9[%add3A_394, %broadcast_in_dim3A_360] : memref<2048x8xf32, #tpu.memory_space<vmem>>[vector<16xi32>, vector<16xi32>], vector<16xf32>,
        %add3A_396 = arith.constant 3 : i32
        %add3A_397 = vector.broadcast %add3A_396 : i32 to vector<16xi32>
        %add3A_398 = arith.addi %add3A_354, %add3A_397 : vector<16xi32>
        %gather3A_399 = tpu.vector_load_idx %arg9[%add3A_398, %broadcast_in_dim3A_356] : memref<2048x8xf32, #tpu.memory_space<vmem>>[vector<16xi32>, vector<16xi32>], vector<16xf32>,
        %add3A_400 = arith.constant 3 : i32
        %add3A_401 = vector.broadcast %add3A_400 : i32 to vector<16xi32>
        %add3A_402 = arith.addi %add3A_354, %add3A_401 : vector<16xi32>
        %gather3A_403 = tpu.vector_load_idx %arg9[%add3A_402, %broadcast_in_dim3A_358] : memref<2048x8xf32, #tpu.memory_space<vmem>>[vector<16xi32>, vector<16xi32>], vector<16xf32>,
        %add3A_404 = arith.constant 3 : i32
        %add3A_405 = vector.broadcast %add3A_404 : i32 to vector<16xi32>
        %add3A_406 = arith.addi %add3A_354, %add3A_405 : vector<16xi32>
        %gather3A_407 = tpu.vector_load_idx %arg9[%add3A_406, %broadcast_in_dim3A_360] : memref<2048x8xf32, #tpu.memory_space<vmem>>[vector<16xi32>, vector<16xi32>], vector<16xf32>,
        %mul3A_408 = arith.constant 16 : i32
        %mul3A_409 = arith.muli %scan3A_347, %mul3A_408 : i32
        %get3A = arith.index_cast %mul3A_409 : i32 to index
        %get3A_410 = tpu.vector_load %arg10[%get3A] {strides = array<i32>} : memref<512xf32, #tpu.memory_space<vmem>>, vector<16xf32>,
        %get3A_411 = arith.index_cast %mul3A_409 : i32 to index
        %get3A_412 = tpu.vector_load %arg11[%get3A_411] {strides = array<i32>} : memref<512xf32, #tpu.memory_space<vmem>>, vector<16xf32>,
        %get3A_413 = arith.index_cast %mul3A_409 : i32 to index
        %get3A_414 = tpu.vector_load %arg12[%get3A_413] {strides = array<i32>} : memref<512xf32, #tpu.memory_space<vmem>>, vector<16xf32>,
        %sub3A = arith.subf %gather3A_375, %gather3A : vector<16xf32>
        %sub3A_415 = arith.subf %gather3A_379, %gather3A_367 : vector<16xf32>
        %sub3A_416 = arith.subf %gather3A_383, %gather3A_371 : vector<16xf32>
        %sub3A_417 = arith.subf %gather3A_387, %gather3A_375 : vector<16xf32>
        %sub3A_418 = arith.subf %gather3A_391, %gather3A_379 : vector<16xf32>
        %sub3A_419 = arith.subf %gather3A_395, %gather3A_383 : vector<16xf32>
        %sub3A_420 = arith.subf %gather3A_399, %gather3A_387 : vector<16xf32>
        %sub3A_421 = arith.subf %gather3A_403, %gather3A_391 : vector<16xf32>
        %sub3A_422 = arith.subf %gather3A_407, %gather3A_395 : vector<16xf32>
        %mul3A_423 = arith.mulf %sub3A_415, %sub3A_419 : vector<16xf32>
        %mul3A_424 = arith.mulf %sub3A_416, %sub3A_418 : vector<16xf32>
        %sub3A_425 = arith.subf %mul3A_423, %mul3A_424 : vector<16xf32>
        %mul3A_426 = arith.mulf %sub3A_416, %sub3A_417 : vector<16xf32>
        %mul3A_427 = arith.mulf %sub3A, %sub3A_419 : vector<16xf32>
        %sub3A_428 = arith.subf %mul3A_426, %mul3A_427 : vector<16xf32>
        %mul3A_429 = arith.mulf %sub3A, %sub3A_418 : vector<16xf32>
        %mul3A_430 = arith.mulf %sub3A_415, %sub3A_417 : vector<16xf32>
        %sub3A_431 = arith.subf %mul3A_429, %mul3A_430 : vector<16xf32>
        %mul3A_432 = arith.mulf %sub3A_418, %sub3A_422 : vector<16xf32>
        %mul3A_433 = arith.mulf %sub3A_419, %sub3A_421 : vector<16xf32>
        %sub3A_434 = arith.subf %mul3A_432, %mul3A_433 : vector<16xf32>
        %mul3A_435 = arith.mulf %sub3A_419, %sub3A_420 : vector<16xf32>
        %mul3A_436 = arith.mulf %sub3A_417, %sub3A_422 : vector<16xf32>
        %sub3A_437 = arith.subf %mul3A_435, %mul3A_436 : vector<16xf32>
        %mul3A_438 = arith.mulf %sub3A_417, %sub3A_421 : vector<16xf32>
        %mul3A_439 = arith.mulf %sub3A_418, %sub3A_420 : vector<16xf32>
        %sub3A_440 = arith.subf %mul3A_438, %mul3A_439 : vector<16xf32>
        %mul3A_441 = arith.mulf %sub3A_425, %sub3A_434 : vector<16xf32>
        %mul3A_442 = arith.mulf %sub3A_428, %sub3A_437 : vector<16xf32>
        %add3A_443 = arith.addf %mul3A_441, %mul3A_442 : vector<16xf32>
        %mul3A_444 = arith.mulf %sub3A_431, %sub3A_440 : vector<16xf32>
        %add3A_445 = arith.addf %add3A_443, %mul3A_444 : vector<16xf32>
        %mul3A_446 = arith.mulf %sub3A_425, %sub3A_420 : vector<16xf32>
        %mul3A_447 = arith.mulf %sub3A_428, %sub3A_421 : vector<16xf32>
        %add3A_448 = arith.addf %mul3A_446, %mul3A_447 : vector<16xf32>
        %mul3A_449 = arith.mulf %sub3A_431, %sub3A_422 : vector<16xf32>
        %add3A_450 = arith.addf %add3A_448, %mul3A_449 : vector<16xf32>
        %mul3A_451 = arith.mulf %sub3A_417, %sub3A_417 : vector<16xf32>
        %mul3A_452 = arith.mulf %sub3A_418, %sub3A_418 : vector<16xf32>
        %add3A_453 = arith.addf %mul3A_451, %mul3A_452 : vector<16xf32>
        %mul3A_454 = arith.mulf %sub3A_419, %sub3A_419 : vector<16xf32>
        %add3A_455 = arith.addf %add3A_453, %mul3A_454 : vector<16xf32>
        %bitcast_convert_type3A = tpu.bitcast %add3A_455 : vector<16xf32> -> vector<16xi32>
        %shift_right_logical3A = arith.constant 1 : i32
        %shift_right_logical3A_456 = vector.broadcast %shift_right_logical3A : i32 to vector<16xi32>
        %shift_right_logical3A_457 = arith.shrui %bitcast_convert_type3A, %shift_right_logical3A_456 : vector<16xi32>
        %sub3A_458 = arith.constant 1597463007 : i32
        %sub3A_459 = vector.broadcast %sub3A_458 : i32 to vector<16xi32>
        %sub3A_460 = arith.subi %sub3A_459, %shift_right_logical3A_457 : vector<16xi32>
        %bitcast_convert_type3A_461 = tpu.bitcast %sub3A_460 : vector<16xi32> -> vector<16xf32>
        %mul3A_462 = arith.constant 5.000000e-01 : f32
        %mul3A_463 = vector.broadcast %mul3A_462 : f32 to vector<16xf32>
        %mul3A_464 = arith.mulf %mul3A_463, %add3A_455 : vector<16xf32>
        %mul3A_465 = arith.mulf %mul3A_464, %bitcast_convert_type3A_461 : vector<16xf32>
        %mul3A_466 = arith.mulf %mul3A_465, %bitcast_convert_type3A_461 : vector<16xf32>
        %sub3A_467 = arith.constant 1.500000e+00 : f32
        %sub3A_468 = vector.broadcast %sub3A_467 : f32 to vector<16xf32>
        %sub3A_469 = arith.subf %sub3A_468, %mul3A_466 : vector<16xf32>
        %mul3A_470 = arith.mulf %bitcast_convert_type3A_461, %sub3A_469 : vector<16xf32>
        %mul3A_471 = arith.mulf %mul3A_464, %mul3A_470 : vector<16xf32>
        %mul3A_472 = arith.mulf %mul3A_471, %mul3A_470 : vector<16xf32>
        %sub3A_473 = arith.constant 1.500000e+00 : f32
        %sub3A_474 = vector.broadcast %sub3A_473 : f32 to vector<16xf32>
        %sub3A_475 = arith.subf %sub3A_474, %mul3A_472 : vector<16xf32>
        %mul3A_476 = arith.mulf %mul3A_470, %sub3A_475 : vector<16xf32>
        %mul3A_477 = arith.mulf %mul3A_464, %mul3A_476 : vector<16xf32>
        %mul3A_478 = arith.mulf %mul3A_477, %mul3A_476 : vector<16xf32>
        %sub3A_479 = arith.constant 1.500000e+00 : f32
        %sub3A_480 = vector.broadcast %sub3A_479 : f32 to vector<16xf32>
        %sub3A_481 = arith.subf %sub3A_480, %mul3A_478 : vector<16xf32>
        %mul3A_482 = arith.mulf %mul3A_476, %sub3A_481 : vector<16xf32>
        %mul3A_483 = arith.mulf %add3A_455, %mul3A_482 : vector<16xf32>
        %mul3A_484 = arith.mulf %mul3A_483, %add3A_450 : vector<16xf32>
        %abs3A = math.absf %add3A_445 : vector<16xf32>
        %abs3A_485 = math.absf %mul3A_484 : vector<16xf32>
        %max3A = arith.maximumf %abs3A, %abs3A_485 : vector<16xf32>
        %min3A = arith.minimumf %abs3A, %abs3A_485 : vector<16xf32>
        %div3A = arith.divf %min3A, %max3A : vector<16xf32>
        %mul3A_486 = arith.mulf %div3A, %div3A : vector<16xf32>
        %mul3A_487 = arith.constant 0.00283409888 : f32
        %mul3A_488 = vector.broadcast %mul3A_487 : f32 to vector<16xf32>
        %mul3A_489 = arith.mulf %mul3A_488, %mul3A_486 : vector<16xf32>
        %add3A_490 = arith.constant -0.0160052255 : f32
        %add3A_491 = vector.broadcast %add3A_490 : f32 to vector<16xf32>
        %add3A_492 = arith.addf %mul3A_489, %add3A_491 : vector<16xf32>
        %mul3A_493 = arith.mulf %add3A_492, %mul3A_486 : vector<16xf32>
        %add3A_494 = arith.constant 0.0425880291 : f32
        %add3A_495 = vector.broadcast %add3A_494 : f32 to vector<16xf32>
        %add3A_496 = arith.addf %mul3A_493, %add3A_495 : vector<16xf32>
        %mul3A_497 = arith.mulf %add3A_496, %mul3A_486 : vector<16xf32>
        %add3A_498 = arith.constant -0.074954927 : f32
        %add3A_499 = vector.broadcast %add3A_498 : f32 to vector<16xf32>
        %add3A_500 = arith.addf %mul3A_497, %add3A_499 : vector<16xf32>
        %mul3A_501 = arith.mulf %add3A_500, %mul3A_486 : vector<16xf32>
        %add3A_502 = arith.constant 0.106367826 : f32
        %add3A_503 = vector.broadcast %add3A_502 : f32 to vector<16xf32>
        %add3A_504 = arith.addf %mul3A_501, %add3A_503 : vector<16xf32>
        %mul3A_505 = arith.mulf %add3A_504, %mul3A_486 : vector<16xf32>
        %add3A_506 = arith.constant -0.142025799 : f32
        %add3A_507 = vector.broadcast %add3A_506 : f32 to vector<16xf32>
        %add3A_508 = arith.addf %mul3A_505, %add3A_507 : vector<16xf32>
        %mul3A_509 = arith.mulf %add3A_508, %mul3A_486 : vector<16xf32>
        %add3A_510 = arith.constant 0.199924856 : f32
        %add3A_511 = vector.broadcast %add3A_510 : f32 to vector<16xf32>
        %add3A_512 = arith.addf %mul3A_509, %add3A_511 : vector<16xf32>
        %mul3A_513 = arith.mulf %add3A_512, %mul3A_486 : vector<16xf32>
        %add3A_514 = arith.constant -0.333330661 : f32
        %add3A_515 = vector.broadcast %add3A_514 : f32 to vector<16xf32>
        %add3A_516 = arith.addf %mul3A_513, %add3A_515 : vector<16xf32>
        %mul3A_517 = arith.mulf %add3A_516, %mul3A_486 : vector<16xf32>
        %add3A_518 = arith.constant 1.000000e+00 : f32
        %add3A_519 = vector.broadcast %add3A_518 : f32 to vector<16xf32>
        %add3A_520 = arith.addf %mul3A_517, %add3A_519 : vector<16xf32>
        %mul3A_521 = arith.mulf %add3A_520, %div3A : vector<16xf32>
        %gt3A = arith.cmpf ogt, %abs3A_485, %abs3A : vector<16xf32>
        %sub3A_522 = arith.constant 1.57079637 : f32
        %sub3A_523 = vector.broadcast %sub3A_522 : f32 to vector<16xf32>
        %sub3A_524 = arith.subf %sub3A_523, %mul3A_521 : vector<16xf32>
        %select_n3A = arith.select %gt3A, %sub3A_524, %mul3A_521 : vector<16xi1>, vector<16xf32>
        %lt3A = arith.constant 0.000000e+00 : f32
        %lt3A_525 = vector.broadcast %lt3A : f32 to vector<16xf32>
        %lt3A_526 = arith.cmpf olt, %add3A_445, %lt3A_525 : vector<16xf32>
        %sub3A_527 = arith.constant 3.14159274 : f32
        %sub3A_528 = vector.broadcast %sub3A_527 : f32 to vector<16xf32>
        %sub3A_529 = arith.subf %sub3A_528, %select_n3A : vector<16xf32>
        %select_n3A_530 = arith.select %lt3A_526, %sub3A_529, %select_n3A : vector<16xi1>, vector<16xf32>
        %bitcast_convert_type3A_531 = tpu.bitcast %mul3A_484 : vector<16xf32> -> vector<16xi32>
        %and3A = arith.constant -2147483648 : i32
        %and3A_532 = vector.broadcast %and3A : i32 to vector<16xi32>
        %and3A_533 = arith.andi %bitcast_convert_type3A_531, %and3A_532 : vector<16xi32>
        %bitcast_convert_type3A_534 = tpu.bitcast %select_n3A_530 : vector<16xf32> -> vector<16xi32>
        %and3A_535 = arith.constant 2147483647 : i32
        %and3A_536 = vector.broadcast %and3A_535 : i32 to vector<16xi32>
        %and3A_537 = arith.andi %bitcast_convert_type3A_534, %and3A_536 : vector<16xi32>
        %or3A = arith.ori %and3A_537, %and3A_533 : vector<16xi32>
        %bitcast_convert_type3A_538 = tpu.bitcast %or3A : vector<16xi32> -> vector<16xf32>
        %mul3A_539 = arith.mulf %get3A_412, %bitcast_convert_type3A_538 : vector<16xf32>
        %sub3A_540 = arith.subf %mul3A_539, %get3A_414 : vector<16xf32>
        %lt3A_541 = arith.constant -3.14159274 : f32
        %lt3A_542 = vector.broadcast %lt3A_541 : f32 to vector<16xf32>
        %lt3A_543 = arith.cmpf olt, %sub3A_540, %lt3A_542 : vector<16xf32>
        %add3A_544 = arith.constant 6.28318548 : f32
        %add3A_545 = vector.broadcast %add3A_544 : f32 to vector<16xf32>
        %add3A_546 = arith.addf %sub3A_540, %add3A_545 : vector<16xf32>
        %select_n3A_547 = arith.select %lt3A_543, %add3A_546, %sub3A_540 : vector<16xi1>, vector<16xf32>
        %mul3A_548 = arith.constant 5.000000e-01 : f32
        %mul3A_549 = vector.broadcast %mul3A_548 : f32 to vector<16xf32>
        %mul3A_550 = arith.mulf %mul3A_549, %select_n3A_547 : vector<16xf32>
        %mul3A_551 = arith.mulf %mul3A_550, %mul3A_550 : vector<16xf32>
        %mul3A_552 = arith.constant -2.38894984E-8 : f32
        %mul3A_553 = vector.broadcast %mul3A_552 : f32 to vector<16xf32>
        %mul3A_554 = arith.mulf %mul3A_553, %mul3A_551 : vector<16xf32>
        %add3A_555 = arith.constant 2.75252887E-6 : f32
        %add3A_556 = vector.broadcast %add3A_555 : f32 to vector<16xf32>
        %add3A_557 = arith.addf %mul3A_554, %add3A_556 : vector<16xf32>
        %mul3A_558 = arith.mulf %add3A_557, %mul3A_551 : vector<16xf32>
        %add3A_559 = arith.constant -1.98408612E-4 : f32
        %add3A_560 = vector.broadcast %add3A_559 : f32 to vector<16xf32>
        %add3A_561 = arith.addf %mul3A_558, %add3A_560 : vector<16xf32>
        %mul3A_562 = arith.mulf %add3A_561, %mul3A_551 : vector<16xf32>
        %add3A_563 = arith.constant 0.00833333097 : f32
        %add3A_564 = vector.broadcast %add3A_563 : f32 to vector<16xf32>
        %add3A_565 = arith.addf %mul3A_562, %add3A_564 : vector<16xf32>
        %mul3A_566 = arith.mulf %add3A_565, %mul3A_551 : vector<16xf32>
        %add3A_567 = arith.constant -0.166666672 : f32
        %add3A_568 = vector.broadcast %add3A_567 : f32 to vector<16xf32>
        %add3A_569 = arith.addf %mul3A_566, %add3A_568 : vector<16xf32>
        %mul3A_570 = arith.mulf %add3A_569, %mul3A_551 : vector<16xf32>
        %add3A_571 = arith.constant 1.000000e+00 : f32
        %add3A_572 = vector.broadcast %add3A_571 : f32 to vector<16xf32>
        %add3A_573 = arith.addf %mul3A_570, %add3A_572 : vector<16xf32>
        %mul3A_574 = arith.mulf %add3A_573, %mul3A_550 : vector<16xf32>
        %mul3A_575 = arith.constant 2.000000e+00 : f32
        %mul3A_576 = vector.broadcast %mul3A_575 : f32 to vector<16xf32>
        %mul3A_577 = arith.mulf %mul3A_576, %mul3A_574 : vector<16xf32>
        %mul3A_578 = arith.mulf %mul3A_577, %mul3A_574 : vector<16xf32>
        %sub3A_579 = arith.constant 1.000000e+00 : f32
        %sub3A_580 = vector.broadcast %sub3A_579 : f32 to vector<16xf32>
        %sub3A_581 = arith.subf %sub3A_580, %mul3A_578 : vector<16xf32>
        %add3A_582 = arith.constant 1.000000e+00 : f32
        %add3A_583 = vector.broadcast %add3A_582 : f32 to vector<16xf32>
        %add3A_584 = arith.addf %add3A_583, %sub3A_581 : vector<16xf32>
        %mul3A_585 = arith.mulf %get3A_410, %add3A_584 : vector<16xf32>
        %get3A_586 = arith.constant 0 : index
        %get3A_587 = tpu.vector_load %arg13[%get3A_586] {strides = array<i32>} : memref<16xf32, #tpu.memory_space<vmem>>, vector<16xf32>,
        %add3A_588 = arith.addf %get3A_587, %mul3A_585 : vector<16xf32>
        %swap3A_589 = arith.constant 0 : index
        %swap3A_590 = tpu.vector_load %arg13[%swap3A_589] {strides = array<i32>} : memref<16xf32, #tpu.memory_space<vmem>>, vector<16xf32>,
        tpu.vector_store %arg13[%swap3A_589], %add3A_588 {strides = array<i32>} : memref<16xf32, #tpu.memory_space<vmem>>, vector<16xf32>,
      }
      %scan3A_346 = arith.constant 32 : i32
    }
    %scan3A_11 = arith.constant 31 : i32
    "tpu.region"() ({
      %run_scoped3A = tpu.sem_alloc : memref<!tpu.dma_semaphore, #tpu.memory_space<semaphore_mem>>
      %dma_start3A = arith.constant 0 : i32
      %dma_start3A_12 = tpu.memref_slice %arg7[%add3A, %dma_start3A] : memref<32x16xf32, #tpu.memory_space<hbm>> -> memref<1x16xf32, #tpu.memory_space<hbm>>
      %dma_start3A_13 = tpu.memref_squeeze %dma_start3A_12 : memref<1x16xf32, #tpu.memory_space<hbm>> -> memref<16xf32, #tpu.memory_space<hbm>>
      %dma_start3A_14 = arith.constant 0 : i32
      %dma_start3A_15 = tpu.memref_slice %arg7[%add3A, %dma_start3A_14] : memref<32x16xf32, #tpu.memory_space<hbm>> -> memref<1x16xf32, #tpu.memory_space<hbm>>
      %dma_start3A_16 = tpu.memref_squeeze %dma_start3A_15 : memref<1x16xf32, #tpu.memory_space<hbm>> -> memref<16xf32, #tpu.memory_space<hbm>>
      tpu.enqueue_dma source(%arg13 : memref<16xf32, #tpu.memory_space<vmem>>) target(%dma_start3A_16 : memref<16xf32, #tpu.memory_space<hbm>>) target_semaphore(%run_scoped3A : memref<!tpu.dma_semaphore, #tpu.memory_space<semaphore_mem>>)
      %dma_wait3A = arith.constant 0 : i32
      %dma_wait3A_17 = tpu.memref_slice %arg7[%add3A, %dma_wait3A] : memref<32x16xf32, #tpu.memory_space<hbm>> -> memref<1x16xf32, #tpu.memory_space<hbm>>
      %dma_wait3A_18 = tpu.memref_squeeze %dma_wait3A_17 : memref<1x16xf32, #tpu.memory_space<hbm>> -> memref<16xf32, #tpu.memory_space<hbm>>
      %dma_wait3A_19 = arith.constant 0 : i32
      %dma_wait3A_20 = tpu.memref_slice %arg7[%add3A, %dma_wait3A_19] : memref<32x16xf32, #tpu.memory_space<hbm>> -> memref<1x16xf32, #tpu.memory_space<hbm>>
      %dma_wait3A_21 = tpu.memref_squeeze %dma_wait3A_20 : memref<1x16xf32, #tpu.memory_space<hbm>> -> memref<16xf32, #tpu.memory_space<hbm>>
      tpu.wait_dma2 semaphore(%run_scoped3A : memref<!tpu.dma_semaphore, #tpu.memory_space<semaphore_mem>>) src(%arg13 : memref<16xf32, #tpu.memory_space<vmem>>) dst(%dma_wait3A_21 : memref<16xf32, #tpu.memory_space<hbm>>)
      tpu.yield
    }) : () -> ()
    return
  }
}

</mosaic_0001>

<sc_bundles>
// kernel: kernel.3.cloned.1.call-start
scs
__scs_entry_jumppad:
0x0: {  	(pc) =	sbr.rel $0x88, $3  }
0x1: {  	(tag) =	ssettag $0x0;
	lr =	simm.s32 $0x1  }
0x2: {  	[smem:$0x3F9C] =	sst lr;
	_ =	strace $0xD0000000  }
0x3: {  	_ = 	snop  }
0x4: {  	_ = 	snop  }
0x5: {  	_ = 	snop  }
0x6: {  	_ = 	snop  }
0x7: {  	_ = 	snop  }
__scs_overlays_trampoline_lowered:
0x8: {  	[smem:$0x3FAB] =	sst s0  }
0x9: {  	[smem:$0x3FAC] =	sst s1  }
0xa: {  	[smem:$0x3FAD] =	sst s2  }
0xb: {  	[smem:$0x3FAE] =	sst s3  }
0xc: {  	[smem:$0x3FAF] =	sst s4  }
0xd: {  	[smem:$0x3FB0] =	sst s5  }
0xe: {  	[smem:$0x3FB1] =	sst s6  }
0xf: {  	[smem:$0x3FB2] =	sst s7  }
0x10: {  	[smem:$0x3FB3] =	sst s8  }
0x11: {  	[smem:$0x3FB4] =	sst s9;
	s0 =	simm.s32 @!p0 $0x0  }
0x12: {  	s1 =	sld [smem:$0x3F9A];
	s0 =	simm.s32 @p0 $0x1  }
0x13: {  	[smem:$0x3FB5] =	sst s0;
	s0 =	simm.s32 @!p1 $0x0  }
0x14: {  	s2 =	sld [smem:$0x3F99];
	s0 =	simm.s32 @p1 $0x1  }
0x15: {  	[smem:$0x3FB6] =	sst s0;
	s0 =	simm.s32 @!p2 $0x0  }
0x16: {  	s3 =	sld [smem:$0x3FDB];
	s0 =	simm.s32 @p2 $0x1  }
0x17: {  	s4 =	simm.s32 $0x1BF5;
	[smem:$0x3FB8] =	sst s0  }
0x18: {  	s0 =	sld [smem:$0x3F9B];
	_ =	swait.ge [sflag:s4], $0x0  }
0x19: {  	s7 =	sld [smem:$0x3F9C]  }
0x1a: {  	s8 =	sadd.s32 $0xFFFFE003, lr  }
0x1b: {  	s9 =	sadd.s32 $0xFFFFFEF7, lr;
	s5 =	simm.s32 $0xFFFFFFFF;
	p2 =	slt.u32 s8, $0xFFFFF086  }
0x1c: {  	p1 =	slt.u32 s9, $0xF7A;
	s5 =	simm.s32 @!p2 $0x0  }
0x1d: {  	s5 =	simm.s32 @p1 $0x1;
	p0 =	seq.s32 s7, s2  }
0x1e: {  	s7 =	smul.u32 @!p0 $0xF7A, s2;
	p2 =	seq.s32 @!p0 s5, $0x0  }
0x1f: {  	s9 =	smul.u32 $0xF7A, s1;
	s8 =	simm.s32 @!p0 $0x1BF5;
	p2 =	por !p2, p0  }
0x20: {  	[sflag:s8] =	ssyncset.s32 @!p0 $0xFFFFF086;
	s6 =	sadd.s32 @!p0 s3, s7;
	s7 =	simm.s32 @!p0 $0x108  }
0x21: {  	s3 =	sadd.s32 s3, s9;
	s6 =	sadd.s32 @!p0 $0x88, s6;
	s7 =	simm.s32 @p2 $0x1082  }
0x22: {  	[simem:s7], [sflag:s8] =	dma.local @!p0 [hbm:s6], $0xF7A  }
0x23: {  	s9 =	sor.u32 $0xD0000000, s2;
	s6 =	simm.s32 $0x108;
	_ =	swait.ge @!p0 [sflag:s8], $0x0  }
0x24: {  	s3 =	sadd.s32 $0x88, s3;
	s6 =	simm.s32 @!p1 $0x1082;
	[sflag:s4] =	ssyncset.s32 $0xFFFFF086  }
0x25: {  	[simem:s6], [sflag:s4] =	dma.local [hbm:s3], $0xF7A  }
0x26: {  	[smem:$0x3F9C] =	sst s1;
	(tag) =	ssettag s2;
	_ =	strace s9  }
0x27: {  	s1 =	sld [smem:$0x3FAC]  }
0x28: {  	s2 =	sld [smem:$0x3FAD]  }
0x29: {  	s4 =	sld [smem:$0x3FAF]  }
0x2a: {  	p0 =	seq.s32 s5, $0x0;
	s5 =	sld [smem:$0x3FB0]  }
0x2b: {  	s6 =	sld [smem:$0x3FB1]  }
0x2c: {  	s7 =	sld [smem:$0x3FB2]  }
0x2d: {  	s3 =	simm.s32 $0x108;
	s8 =	sld [smem:$0x3FB3]  }
0x2e: {  	s3 =	simm.s32 @!p0 $0x1082;
	s9 =	sld [smem:$0x3FB4]  }
0x2f: {  	lr =	sadd.s32 s0, s3;
	s0 =	sld [smem:$0x3FAB]  }
0x30: {  	s3 =	sld [smem:$0x3FAE]  }
0x31: {  	[smem:$0x3FB7] =	sst s10  }
0x32: {  	s10 =	sld [smem:$0x3FB5];
	_ =	sdelay $0x3  }
0x33: {  	p0 =	seq.s32 s10, $0x1;
	s10 =	sld [smem:$0x3FB7];
	_ =	sdelay $0x3  }
0x34: {  	[smem:$0x3FB7] =	sst s10  }
0x35: {  	s10 =	sld [smem:$0x3FB6];
	_ =	sdelay $0x3  }
0x36: {  	p1 =	seq.s32 s10, $0x1;
	s10 =	sld [smem:$0x3FB7];
	_ =	sdelay $0x3  }
0x37: {  	[smem:$0x3FB7] =	sst s10  }
0x38: {  	s10 =	sld [smem:$0x3FB8]  }
0x39: {  	_ = 	snop;
	(pc) =	sbr.ind lr, $3  }
0x3a: {  	_ = 	snop  }
0x3b: {  	_ = 	snop  }
0x3c: {  	p2 =	seq.s32 s10, $0x1;
	s10 =	sld [smem:$0x3FB7]  }
0x3d: {  	_ =	shalt  }
0x3e: {  	_ =	shalt  }
0x3f: {  	_ =	shalt  }
0x40: {  	_ =	shalt  }
0x41: {  	_ =	shalt  }
0x42: {  	_ =	shalt  }
0x43: {  	_ =	shalt  }
0x44: {  	_ =	shalt  }
0x45: {  	_ =	shalt  }
0x46: {  	_ =	shalt  }
0x47: {  	_ =	shalt  }
0x48: {  	_ =	shalt  }
0x49: {  	_ =	shalt  }
0x4a: {  	_ =	shalt  }
0x4b: {  	_ =	shalt  }
0x4c: {  	_ =	shalt  }
0x4d: {  	_ =	shalt  }
0x4e: {  	_ =	shalt  }
0x4f: {  	_ =	shalt  }
0x50: {  	_ =	shalt  }
0x51: {  	_ =	shalt  }
0x52: {  	_ =	shalt  }
0x53: {  	_ =	shalt  }
0x54: {  	_ =	shalt  }
0x55: {  	_ =	shalt  }
0x56: {  	_ =	shalt  }
0x57: {  	_ =	shalt  }
0x58: {  	_ =	shalt  }
0x59: {  	_ =	shalt  }
0x5a: {  	_ =	shalt  }
0x5b: {  	_ =	shalt  }
0x5c: {  	_ =	shalt  }
0x5d: {  	_ =	shalt  }
0x5e: {  	_ =	shalt  }
0x5f: {  	_ =	shalt  }
0x60: {  	_ =	shalt  }
0x61: {  	_ =	shalt  }
0x62: {  	_ =	shalt  }
0x63: {  	_ =	shalt  }
0x64: {  	_ =	shalt  }
0x65: {  	_ =	shalt  }
0x66: {  	_ =	shalt  }
0x67: {  	_ =	shalt  }
0x68: {  	_ =	shalt  }
0x69: {  	_ =	shalt  }
0x6a: {  	_ =	shalt  }
0x6b: {  	_ =	shalt  }
0x6c: {  	_ =	shalt  }
0x6d: {  	_ =	shalt  }
0x6e: {  	_ =	shalt  }
0x6f: {  	_ =	shalt  }
0x70: {  	_ =	shalt  }
0x71: {  	_ =	shalt  }
0x72: {  	_ =	shalt  }
0x73: {  	_ =	shalt  }
0x74: {  	_ =	shalt  }
0x75: {  	_ =	shalt  }
0x76: {  	_ =	shalt  }
0x77: {  	_ =	shalt  }
0x78: {  	_ =	shalt  }
0x79: {  	_ =	shalt  }
0x7a: {  	_ =	shalt  }
0x7b: {  	_ =	shalt  }
0x7c: {  	_ =	shalt  }
0x7d: {  	_ =	shalt  }
0x7e: {  	_ =	shalt  }
0x7f: {  	_ =	shalt  }
0x80: {  	_ =	shalt  }
0x81: {  	_ =	shalt  }
0x82: {  	_ =	shalt  }
0x83: {  	_ =	shalt  }
0x84: {  	_ =	shalt  }
0x85: {  	_ =	shalt  }
0x86: {  	_ =	shalt  }
0x87: {  	_ =	shalt  }
.Lfunc_end0:
.L_simem_size_0:
called_computation_lowered:
.L_overlay_start_0:
0x88: {  	s2 =	sld [smem:$0x3FD9]  }
0x89: {  	s3 =	sld [smem:$0x3FFE];
	_ =	sdelay $0x1  }
0x8a: {  	s1 =	srdreg.scid  }
0x8b: {  	s0 =	sand.u32 $0x1, s1  }
0x8c: {  	s16 =	sshll.u32 s0, $0xA;
	s2 =	sadd.s32 s3, s2  }
0x8d: {  	s2 =	sadd.s32 s2, s16  }
0x8e: {  	[smem:$0x3FC3] =	sst s2  }
0x8f: {  	_ = 	snop  }
0x90: {  	(tm) =	ssettm $0x1  }
0x91: {  	s17 =	sld [smem:$0x3FFB];
	_ =	sdelay $0x3  }
0x92: {  	_ =	strace s17  }
0x93: {  	s2 =	sld [smem:$0x3FFC];
	_ =	sdelay $0x3  }
0x94: {  	_ =	strace s2  }
0x95: {  	s2 =	sld [smem:$0x3FFD];
	_ =	sdelay $0x3  }
0x96: {  	_ =	strace s2  }
0x97: {  	_ =	strace $0x8FFFFFFF  }
0x98: {  	s18 =	sld [smem:$0x3FDB];
	_ =	sdelay $0x1  }
0x99: {  	s19 =	simm.s32 $_scs_section_size  }
0x9a: {  	s4 =	simm.s32 $_size__tile_overlayer_lowered;
	s5 =	simm.s32 $_tile_overlayer_lowered  }
0x9b: {  	s22 =	simm.s32 $0x1BFF;
	s21 =	sshll.u32 s5, $0x1;
	s2 =	sadd.s32 s19, s18  }
0x9c: {  	s6 =	simm.s32 $0x0;
	s20 =	sshll.u32 s4, $0x1;
	s4 =	sadd.s32 s21, s2  }
0x9d: {  	[timem:s6], [sflag:s22] =	dma.local [hbm:s4], s20  }
0x9e: {  	_ =	swait.ge [sflag:s22], s20  }
0x9f: {  	s3 =	ssub.s32 $0x0, s20;
	[sflag:s22] =	ssyncset.done $0x0  }
0xa0: {  	[sflag:s22] =	ssyncadd.s32 s3;
	_ =	sdelay $0x1  }
0xa1: {  	s23 =	simm.s32 $0x1B8B  }
0xa2: {  	_ =	swait.ge [sflag:s23], $0x1  }
0xa3: {  	[sflag:s23] =	ssyncset.done $0x0  }
0xa4: {  	s25 =	simm.s32 $0x1B8E;
	s24 =	sld [smem:$0x3FFE];
	[sflag:s23] =	ssyncadd.s32 $0xFFFFFFFF  }
0xa5: {  	s26 =	simm.s32 $execute0_lowered;
	[smem:$0x3FD2] =	sst s25  }
0xa6: {  	s4 =	sshll.u32 s26, $0x1;
	_ =	strace $0x80000046;
	[dreg:$0x1] =	wrdreg $0xFFFFFFFF  }
0xa7: {  	s28 =	simm.s32 $_size_execute0_lowered;
	s2 =	sadd.s32 s2, s4;
	[dreg:$0x0] =	wrdreg $0x0  }
0xa8: {  	s4 =	sshll.u32 s28, $0x1;
	[dreg:$0x2] =	wrdreg s2  }
0xa9: {  	[dreg:$0x3] =	wrdreg s4  }
0xaa: {  	[dreg:$0x4] =	wrdreg $0xC0  }
0xab: {  	_ =	task [dreg:s6], $0x5FFFF  }
0xac: {  	[dreg:$0x1] =	wrdreg $0xFFFFFFFF  }
0xad: {  	[dreg:$0x0] =	wrdreg $0x60  }
0xae: {  	[dreg:$0x2] =	wrdreg s24  }
0xaf: {  	[dreg:$0x3] =	wrdreg $0x4E100  }
0xb0: {  	[dreg:$0x4] =	wrdreg $0x9  }
0xb1: {  	_ =	task.clear_ibuf [dreg:s6], $0x5FFFF;
	_ =	strace $0x90000046  }
0xb2: {  	s29 =	simm.s32 $0x9;
	_ =	strace $0x80000048  }
0xb3: {  	_ =	swait.ge [sflag:s29], $0x1  }
0xb4: {  	[sflag:s29] =	ssyncadd.s32 $0xFFFFFFFF  }
0xb5: {  	_ =	strace $0x90000048  }
0xb6: {  	_ =	sfence  }
0xb7: {  	s30 =	sld [smem:$0x0];
	_ =	sdelay $0x2  }
0xb8: {  	s31 =	sshll.u32 s1, $0xD;
	s1 =	sshrl.u32 s1, $0x2  }
0xb9: {  	s3 =	sand.u32 $0x4000, s31;
	s1 =	sadd.s32 s1, s30  }
0xba: {  	s0 =	sor.u32 s3, s0;
	s1 =	sshll.u32 s1, $0x11  }
0xbb: {  	s0 =	sor.u32 s1, s0  }
0xbc: {  	s0 =	sadd.s32 $0x8F2B, s0  }
0xbd: {  	[sflag:s0] =	ssyncadd.remote.s32 $0x1  }
0xbe: {  	_ =	sfence.sel $0xFFFF  }
0xbf: {  	[dreg:$0x0] =	wrdreg $0xFFFFFFFF;
	(pc) =	sbr.abs _section_cstart, $3  }
0xc0: {  	[dreg:$0x1] =	wrdreg $0xFFFFFFFF  }
0xc1: {  	_ =	task.clear_ibuf [dreg:s6], $0x2FFFF;
	_ =	strace $0x9FFFFFFF  }
0xc2: {  	(tm) =	ssettm $0x7FFFFFFF  }
0xc3: {  	_ =	shalt  }
tec
execute0_lowered:
.L_overlay_start_1:
0x0: {  	(tag) =	ssettag $0x1  }
0x1: {  	s0 =	rddreg [dreg:$0x0]  }
0x2: {  	s2 =	rddreg [dreg:$0x1]  }
0x3: {  	s11 =	stileid.u32;
	s3 =	simm.s32 $0x0;
	s4 =	srdreg.scid  }
0x4: {  	s15 =	simm.s32 $0x2;
	s19 =	simm.s32 $0x80;
	s20 =	simm.s32 $0x800  }
0x5: {  	s12 =	simm.s32 $0x480;
	s13 =	simm.s32 $0x2C00;
	s14 =	simm.s32 $0x500  }
0x6: {  	s16 =	simm.s32 $0x3000;
	s17 =	simm.s32 $0x580;
	s18 =	simm.s32 $0x3400  }
0x7: {  	s21 =	simm.s32 $0x600;
	s22 =	simm.s32 $0x3800;
	s28 =	simm.s32 $0x780  }
0x8: {  	s29 =	simm.s32 $0x4400;
	s30 =	simm.s32 $0x1;
	s1 =	smul.u32 $0xC380, s11  }
0x9: {  	[smem:$0x7FF] =	sst s3;
	s7 =	sand.u32 $0x1, s4;
	s6 =	sshll.u32 s11, $0x1  }
0xa: {  	s4 =	sadd.s32 $0x7C0800, s0;
	s5 =	sadd.s32 $0x38000, s0;
	s11 =	sshll.u32 s11, $0x6  }
0xb: {  	_ =	strace $0x80000047;
	s9 =	sor.u32 s7, s6;
	s6 =	sadd.s32 $0x28800, s0  }
0xc: {  	s10 =	ssub.s32 $0x2, s7;
	s7 =	sadd.s32 $0x19000, s0;
	s25 =	sor.u32 $0x1C02, s11  }
0xd: {  	s23 =	sshrl.u32 s1, $0x3;
	s8 =	sshll.u32 s9, $0x1;
	s24 =	sshrl.u32 s10, $0x1  }
0xe: {  	s1 =	sadd.s32 s1, s2;
	[dreg:$0x4] =	wrdreg s25;
	s11 =	smul.u32 $0xF800, s9  }
0xf: {  	s25 =	simm.s32 $0x700;
	s3 =	sadd.s32 s23, s0;
	s0 =	sadd.s32 s8, s0  }
0x10: {  	s10 =	ssub.s32 s10, s24;
	s8 =	smul.u32 $0x3E00, s9;
	s31 =	sshrl.u32 s1, $0x3  }
0x11: {  	v0 =	vlaneseq.u32;
	s23 =	simm.s32 $0x680;
	s3 =	sadd.s32 $0x800, s3;
	[dreg:$0x7] =	wrdreg s31  }
0x12: {  	v0 =	vmul.u32 $0x20, v0;
	s24 =	simm.s32 $0x3C00;
	s0 =	sadd.s32 $0x47800, s0;
	[dreg:$0x3] =	wrdreg s3  }
0x13: {  	v1 =	vimm.f32 $0.0e+00;
	s1 =	simm.s32 $0x0;
	s26 =	smax.u32 s10, $0x1;
	[dreg:$0x5] =	wrdreg s0  }
0x14: {  	v2 =	vor.u32 $0x18, v0;
	v3 =	vor.u32 $0x10, v0;
	v4 =	vor.u32 $0x8, v0;
	s10 =	simm.s32 $0x2800;
	[dreg:$0x6] =	wrdreg s26;
	s26 =	simm.s32 $0x4000  }
.LBB2_1:
0x15: {  	[dreg:$0x8] =	wrdreg s1  }
0x16: {  	s0 =	rddreg [dreg:$0x3]  }
0x17: {  	s9 =	rddreg [dreg:$0x4]  }
0x18: {  	[tilespmem:$0x4E00] =	vst v1;
	s3 =	rddreg [dreg:$0x7]  }
0x19: {  	[spmem:s3], [sflag:s9] =	dma.local [hbm:s0], $0x1870  }
0x1a: {  	_ =	swait.ge [sflag:s15], $0x1870  }
0x1b: {  	[sflag:s15] =	ssyncset.done $0x0  }
0x1c: {  	[sflag:s15] =	ssyncadd.s32 $0xFFFFE790  }
0x1d: {  	s31 =	simm.s32 $0x0;
	[bflag:$0x0] =	sbarrier.arrive $0xFFFF  }
.LBB2_2:
0x1e: {  	s0 =	sshll.u32 s31, $0x9  }
0x1f: {  	s0 =	sadd.s32 s8, s0  }
0x20: {  	s1 =	sshrl.u32 s0, $0x3  }
0x21: {  	s9 =	simm.s32 $0x4800;
	s0 =	simm.s32 $0x0;
	s3 =	sadd.s32 s5, s1  }
0x22: {  	[tilespmem:s9], [sflag:$0x2] =	stream.linear.gather [hbm4b:s3+s0], $0x200, $0x38;
	[tilespmem:$0x11190] =	vst v63  }
0x23: {  	_ =	swait.ge [sflag:s15], $0x200  }
0x24: {  	[sflag:s15] =	ssyncset.done $0x0  }
0x25: {  	s3 =	sadd.s32 s6, s1;
	s9 =	simm.s32 $0x4A00;
	[sflag:s15] =	ssyncadd.s32 $0xFFFFFE00  }
0x26: {  	[tilespmem:s9], [sflag:$0x2] =	stream.linear.gather [hbm4b:s3+s0], $0x200, $0x38;
	[tilespmem:$0x11190] =	vst v63  }
0x27: {  	_ =	swait.ge [sflag:s15], $0x200  }
0x28: {  	s1 =	sadd.s32 s7, s1;
	[sflag:s15] =	ssyncset.done $0x0  }
0x29: {  	s9 =	simm.s32 $0x4C00;
	s3 =	sshll.u32 s31, $0xB;
	[sflag:s15] =	ssyncadd.s32 $0xFFFFFE00  }
0x2a: {  	[tilespmem:s9], [sflag:$0x2] =	stream.linear.gather [hbm4b:s1+s0], $0x200, $0x38;
	[tilespmem:$0x11190] =	vst v63  }
0x2b: {  	s1 =	sadd.s32 s11, s3;
	_ =	swait.ge [sflag:s15], $0x200  }
0x2c: {  	s1 =	sshrl.u32 s1, $0x3;
	[sflag:s15] =	ssyncset.done $0x0  }
0x2d: {  	s1 =	sadd.s32 s4, s1;
	[sflag:s15] =	ssyncadd.s32 $0xFFFFFE00  }
0x2e: {  	[tilespmem:s0], [sflag:$0x2] =	stream.linear.gather [hbm4b:s1+s0], $0x800, $0x38;
	[tilespmem:$0x11190] =	vst v63  }
0x2f: {  	_ =	swait.ge [sflag:s15], $0x800  }
0x30: {  	[sflag:s15] =	ssyncset.done $0x0  }
0x31: {  	[sflag:s15] =	ssyncadd.s32 $0xFFFFF800  }
0x32: {  	[tilespmem:s20], [sflag:$0x1] =	stream.indirect.gather [spmem:s2], $0x8, s0, s19, $0xb8;
	[tilespmem:$0x11190] =	vst v63  }
0x33: {  	s9 =	simm.s32 $0xC00  }
0x34: {  	[tilespmem:s9], [sflag:$0x1] =	stream.indirect.gather [spmem:s2], $0x8, s19, s19, $0xb8;
	[tilespmem:$0x11190] =	vst v63  }
0x35: {  	s3 =	simm.s32 $0x100;
	s9 =	simm.s32 $0x1000  }
0x36: {  	[tilespmem:s9], [sflag:$0x1] =	stream.indirect.gather [spmem:s2], $0x8, s3, s19, $0xb8;
	[tilespmem:$0x11190] =	vst v63  }
0x37: {  	s3 =	simm.s32 $0x180;
	s9 =	simm.s32 $0x1400  }
0x38: {  	[tilespmem:s9], [sflag:$0x1] =	stream.indirect.gather [spmem:s2], $0x8, s3, s19, $0xb8;
	[tilespmem:$0x11190] =	vst v63  }
0x39: {  	s3 =	simm.s32 $0x200;
	s9 =	simm.s32 $0x1800  }
0x3a: {  	[tilespmem:s9], [sflag:$0x1] =	stream.indirect.gather [spmem:s2], $0x8, s3, s19, $0xb8;
	[tilespmem:$0x11190] =	vst v63  }
0x3b: {  	s3 =	simm.s32 $0x280;
	s9 =	simm.s32 $0x1C00  }
0x3c: {  	[tilespmem:s9], [sflag:$0x1] =	stream.indirect.gather [spmem:s2], $0x8, s3, s19, $0xb8;
	[tilespmem:$0x11190] =	vst v63  }
0x3d: {  	s3 =	simm.s32 $0x300;
	s9 =	simm.s32 $0x2000  }
0x3e: {  	[tilespmem:s9], [sflag:$0x1] =	stream.indirect.gather [spmem:s2], $0x8, s3, s19, $0xb8;
	[tilespmem:$0x11190] =	vst v63  }
0x3f: {  	s3 =	simm.s32 $0x380;
	s9 =	simm.s32 $0x2400  }
0x40: {  	[tilespmem:s9], [sflag:$0x1] =	stream.indirect.gather [spmem:s2], $0x8, s3, s19, $0xb8;
	[tilespmem:$0x11190] =	vst v63  }
0x41: {  	s3 =	simm.s32 $0x400  }
0x42: {  	[tilespmem:s10], [sflag:$0x1] =	stream.indirect.gather [spmem:s2], $0x8, s3, s19, $0xb8;
	[tilespmem:$0x11190] =	vst v63  }
0x43: {  	_ = 	snop  }
0x44: {  	[tilespmem:s13], [sflag:$0x1] =	stream.indirect.gather [spmem:s2], $0x8, s12, s19, $0xb8;
	[tilespmem:$0x11190] =	vst v63  }
0x45: {  	_ = 	snop  }
0x46: {  	[tilespmem:s16], [sflag:$0x1] =	stream.indirect.gather [spmem:s2], $0x8, s14, s19, $0xb8;
	[tilespmem:$0x11190] =	vst v63  }
0x47: {  	_ = 	snop  }
0x48: {  	[tilespmem:s18], [sflag:$0x1] =	stream.indirect.gather [spmem:s2], $0x8, s17, s19, $0xb8;
	[tilespmem:$0x11190] =	vst v63  }
0x49: {  	_ = 	snop  }
0x4a: {  	[tilespmem:s22], [sflag:$0x1] =	stream.indirect.gather [spmem:s2], $0x8, s21, s19, $0xb8;
	[tilespmem:$0x11190] =	vst v63  }
0x4b: {  	_ = 	snop  }
0x4c: {  	[tilespmem:s24], [sflag:$0x1] =	stream.indirect.gather [spmem:s2], $0x8, s23, s19, $0xb8;
	[tilespmem:$0x11190] =	vst v63  }
0x4d: {  	_ = 	snop  }
0x4e: {  	[tilespmem:s26], [sflag:$0x1] =	stream.indirect.gather [spmem:s2], $0x8, s25, s19, $0xb8;
	[tilespmem:$0x11190] =	vst v63  }
0x4f: {  	_ = 	snop  }
0x50: {  	[tilespmem:s29], [sflag:$0x1] =	stream.indirect.gather [spmem:s2], $0x8, s28, s19, $0xb8;
	[tilespmem:$0x11190] =	vst v63  }
0x51: {  	_ =	swait.ge [sflag:s30], $0x400  }
0x52: {  	[sflag:s30] =	ssyncset.done $0x0  }
0x53: {  	[sflag:s30] =	ssyncadd.s32 $0xFFFFFC00  }
0x54: {  	_ =	swait.ge [sflag:s30], $0x400  }
0x55: {  	[sflag:s30] =	ssyncset.done $0x0  }
0x56: {  	[sflag:s30] =	ssyncadd.s32 $0xFFFFFC00  }
0x57: {  	_ =	swait.ge [sflag:s30], $0x400  }
0x58: {  	[sflag:s30] =	ssyncset.done $0x0  }
0x59: {  	[sflag:s30] =	ssyncadd.s32 $0xFFFFFC00  }
0x5a: {  	_ =	swait.ge [sflag:s30], $0x400  }
0x5b: {  	[sflag:s30] =	ssyncset.done $0x0  }
0x5c: {  	[sflag:s30] =	ssyncadd.s32 $0xFFFFFC00  }
0x5d: {  	_ =	swait.ge [sflag:s30], $0x400  }
0x5e: {  	[sflag:s30] =	ssyncset.done $0x0  }
0x5f: {  	[sflag:s30] =	ssyncadd.s32 $0xFFFFFC00  }
0x60: {  	_ =	swait.ge [sflag:s30], $0x400  }
0x61: {  	[sflag:s30] =	ssyncset.done $0x0  }
0x62: {  	[sflag:s30] =	ssyncadd.s32 $0xFFFFFC00  }
0x63: {  	_ =	swait.ge [sflag:s30], $0x400  }
0x64: {  	[sflag:s30] =	ssyncset.done $0x0  }
0x65: {  	[sflag:s30] =	ssyncadd.s32 $0xFFFFFC00  }
0x66: {  	_ =	swait.ge [sflag:s30], $0x400  }
0x67: {  	[sflag:s30] =	ssyncset.done $0x0  }
0x68: {  	[sflag:s30] =	ssyncadd.s32 $0xFFFFFC00  }
0x69: {  	_ =	swait.ge [sflag:s30], $0x400  }
0x6a: {  	[sflag:s30] =	ssyncset.done $0x0  }
0x6b: {  	[sflag:s30] =	ssyncadd.s32 $0xFFFFFC00  }
0x6c: {  	_ =	swait.ge [sflag:s30], $0x400  }
0x6d: {  	[sflag:s30] =	ssyncset.done $0x0  }
0x6e: {  	[sflag:s30] =	ssyncadd.s32 $0xFFFFFC00  }
0x6f: {  	_ =	swait.ge [sflag:s30], $0x400  }
0x70: {  	[sflag:s30] =	ssyncset.done $0x0  }
0x71: {  	[sflag:s30] =	ssyncadd.s32 $0xFFFFFC00  }
0x72: {  	_ =	swait.ge [sflag:s30], $0x400  }
0x73: {  	[sflag:s30] =	ssyncset.done $0x0  }
0x74: {  	[sflag:s30] =	ssyncadd.s32 $0xFFFFFC00  }
0x75: {  	_ =	swait.ge [sflag:s30], $0x400  }
0x76: {  	[sflag:s30] =	ssyncset.done $0x0  }
0x77: {  	[sflag:s30] =	ssyncadd.s32 $0xFFFFFC00  }
0x78: {  	_ =	swait.ge [sflag:s30], $0x400  }
0x79: {  	v5 =	vmov s0;
	[sflag:s30] =	ssyncset.done $0x0  }
0x7a: {  	v5 =	vshll.u32 v5, $0x3;
	[sflag:s30] =	ssyncadd.s32 $0xFFFFFC00  }
0x7b: {  	v6 =	vor.u32 v4, v5;
	_ =	swait.ge [sflag:s30], $0x400  }
0x7c: {  	v7 =	vor.u32 $0x1, v6;
	[sflag:s30] =	ssyncset.done $0x0  }
0x7d: {  	v8 =	vor.u32 v3, v5;
	[sflag:s30] =	ssyncadd.s32 $0xFFFFFC00  }
0x7e: {  	v9 =	vor.u32 $0x1, v8;
	_ =	swait.ge [sflag:s30], $0x400  }
0x7f: {  	[sflag:s30] =	ssyncset.done $0x0  }
0x80: {  	v10 =	vor.u32 $0x2, v6;
	[sflag:s30] =	ssyncadd.s32 $0xFFFFFC00  }
0x81: {  	v11 =	vor.u32 $0x2, v8;
	v7 =	vld.idx.msk [tilespmem:v7+s20+$0x0], $0xffff  }
0x82: {  	v6 =	vld.idx.msk [tilespmem:v6+s20+$0x0], $0xffff  }
0x83: {  	v9 =	vld.idx.msk [tilespmem:v9+s20+$0x0], $0xffff  }
0x84: {  	v8 =	vld.idx.msk [tilespmem:v8+s20+$0x0], $0xffff  }
0x85: {  	v10 =	vld.idx.msk [tilespmem:v10+s20+$0x0], $0xffff  }
0x86: {  	v11 =	vld.idx.msk [tilespmem:v11+s20+$0x0], $0xffff;
	_ =	sdelay $0x2  }
0x87: {  	v12 =	vsub.f32 v8, v6;
	v13 =	vsub.f32 v9, v7;
	_ =	sdelay $0x1  }
0x88: {  	v14 =	vsub.f32 v11, v10;
	v15 =	vmul.f32 v12, v12;
	v16 =	vmul.f32 v13, v13;
	_ =	sdelay $0x1  }
0x89: {  	v53 =	vmul.f32 v14, v14;
	v15 =	vadd.f32 v16, v15;
	_ =	sdelay $0x1  }
0x8a: {  	v15 =	vadd.f32 v53, v15  }
0x8b: {  	v54 =	vor.u32 v0, v5;
	v5 =	vor.u32 v2, v5  }
0x8c: {  	v19 =	vor.u32 $0x1, v54;
	v17 =	vshrl.u32 v15, $0x1;
	v18 =	vmul.f32 $5.000000000e-01, v15  }
0x8d: {  	v21 =	vor.u32 $0x2, v5;
	v17 =	vsub.s32 $0x5F3759DF, v17  }
0x8e: {  	v22 =	vor.u32 $0x1, v5;
	v20 =	vmul.f32 v17, v18  }
0x8f: {  	v23 =	vor.u32 $0x2, v54  }
0x90: {  	v20 =	vmul.f32 v17, v20  }
0x91: {  	v19 =	vld.idx.msk [tilespmem:v19+s20+$0x0], $0xffff  }
0x92: {  	v21 =	vld.idx.msk [tilespmem:v21+s20+$0x0], $0xffff;
	v20 =	vsub.f32 $1.500000000e+00, v20  }
0x93: {  	v55 =	vld.idx.msk [tilespmem:v22+s20+$0x0], $0xffff  }
0x94: {  	v56 =	vld.idx.msk [tilespmem:v23+s20+$0x0], $0xffff;
	v17 =	vmul.f32 v17, v20  }
0x95: {  	v16 =	vld.idx.msk [tilespmem:v54+s20+$0x0], $0xffff  }
0x96: {  	v5 =	vld.idx.msk [tilespmem:v5+s20+$0x0], $0xffff;
	v57 =	vmul.f32 v17, v18  }
0x97: {  	v7 =	vsub.f32 v7, v19;
	v11 =	vsub.f32 v21, v11  }
0x98: {  	v9 =	vsub.f32 v55, v9;
	v58 =	vmul.f32 v57, v17  }
0x99: {  	v10 =	vsub.f32 v10, v56;
	v19 =	vmul.f32 v14, v7;
	v21 =	vmul.f32 v11, v13  }
0x9a: {  	v60 =	vmul.f32 v9, v14;
	v6 =	vsub.f32 v6, v16;
	v16 =	vsub.f32 $1.500000000e+00, v58  }
0x9b: {  	v5 =	vsub.f32 v5, v8;
	v8 =	vmul.f32 v13, v10;
	v7 =	vmul.f32 v12, v7  }
0x9c: {  	v10 =	vmul.f32 v12, v10;
	v16 =	vmul.f32 v16, v17  }
0x9d: {  	v62 =	vmul.f32 v11, v12;
	v12 =	vmul.f32 v9, v12  }
0x9e: {  	v59 =	vmul.f32 v14, v6;
	v18 =	vmul.f32 v16, v18  }
0x9f: {  	v61 =	vsub.f32 v21, v60;
	v6 =	vmul.f32 v13, v6;
	v14 =	vmul.f32 v5, v14  }
0xa0: {  	v8 =	vsub.f32 v19, v8;
	v10 =	vsub.f32 v10, v59;
	v18 =	vmul.f32 v18, v16  }
0xa1: {  	v13 =	vmul.f32 v5, v13;
	v6 =	vsub.f32 v6, v7;
	v7 =	vsub.f32 v14, v62  }
0xa2: {  	v5 =	vmul.f32 v8, v5;
	v9 =	vmul.f32 v9, v10;
	v63 =	vsub.f32 $1.500000000e+00, v18  }
0xa3: {  	v8 =	vmul.f32 v61, v8;
	v12 =	vsub.f32 v12, v13;
	v7 =	vmul.f32 v7, v10  }
0xa4: {  	v5 =	vadd.f32 v9, v5;
	v9 =	vmul.f32 v11, v6;
	v10 =	vmul.f32 v63, v16  }
0xa5: {  	v6 =	vmul.f32 v12, v6  }
0xa6: {  	v7 =	vadd.f32 v7, v8;
	v5 =	vadd.f32 v9, v5;
	v8 =	vmul.f32 v10, v15;
	_ =	sdelay $0x1  }
0xa7: {  	v6 =	vadd.f32 v7, v6;
	v5 =	vmul.f32 v8, v5;
	_ =	sdelay $0x1  }
0xa8: {  	v7 =	vand.u32 $0x7FFFFFFF, v6;
	v8 =	vand.u32 $0x7FFFFFFF, v5  }
0xa9: {  	v9 =	vmax.f32 v7, v8  }
0xaa: {  	(erf) = vrcp.f32 v9;
	_ =	sdelay $0x8  }
0xab: {  	v9 =	vmin.f32 v7, v8;
	v10 =	vpop (erf)  }
0xac: {  	v9 =	vmul.f32 v10, v9;
	_ =	sdelay $0x1  }
0xad: {  	v10 =	vmul.f32 v9, v9;
	_ =	sdelay $0x1  }
0xae: {  	v11 =	vmul.f32 $2.834098880e-03, v10;
	_ =	sdelay $0x1  }
0xaf: {  	v11 =	vadd.f32 $-1.600522550e-02, v11;
	_ =	sdelay $0x1  }
0xb0: {  	v11 =	vmul.f32 v11, v10;
	_ =	sdelay $0x1  }
0xb1: {  	v11 =	vadd.f32 $4.258802910e-02, v11;
	_ =	sdelay $0x1  }
0xb2: {  	v11 =	vmul.f32 v11, v10;
	_ =	sdelay $0x1  }
0xb3: {  	v11 =	vadd.f32 $-7.495492700e-02, v11;
	_ =	sdelay $0x1  }
0xb4: {  	v11 =	vmul.f32 v11, v10;
	_ =	sdelay $0x1  }
0xb5: {  	v11 =	vadd.f32 $1.063678260e-01, v11;
	_ =	sdelay $0x1  }
0xb6: {  	v11 =	vmul.f32 v11, v10;
	_ =	sdelay $0x1  }
0xb7: {  	v11 =	vadd.f32 $-1.420257990e-01, v11;
	_ =	sdelay $0x1  }
0xb8: {  	v11 =	vmul.f32 v11, v10;
	_ =	sdelay $0x1  }
0xb9: {  	v11 =	vadd.f32 $1.999248560e-01, v11;
	_ =	sdelay $0x1  }
0xba: {  	v11 =	vmul.f32 v11, v10;
	_ =	sdelay $0x1  }
0xbb: {  	v11 =	vadd.f32 $-3.333306610e-01, v11;
	_ =	sdelay $0x1  }
0xbc: {  	v10 =	vmul.f32 v11, v10;
	_ =	sdelay $0x1  }
0xbd: {  	v10 =	vadd.f32 $1.000000000e+00, v10;
	_ =	sdelay $0x1  }
0xbe: {  	v9 =	vmul.f32 v10, v9;
	_ =	sdelay $0x1  }
0xbf: {  	v10 =	vsub.f32 $1.570796370e+00, v9  }
0xc0: {  	vm0 =	vgt.f32 v8, v7  }
0xc1: {  	s9 =	simm.s32 $0x0;
	v7 =	vsel vm0, v10, v9  }
0xc2: {  	v8 =	vld [tilespmem:s9+$0x4A00];
	v9 =	vsub.f32 $3.141592740e+00, v7  }
0xc3: {  	vm14 =	vlt.f32 v6, $0.0e+00  }
0xc4: {  	v6 =	vld [tilespmem:s9+$0x4C00];
	v7 =	vsel vm14, v9, v7  }
0xc5: {  	v5 =	vand.u32 $0x80000000, v5;
	v7 =	vand.u32 $0x7FFFFFFF, v7  }
0xc6: {  	v5 =	vor.u32 v5, v7  }
0xc7: {  	v5 =	vmul.f32 v5, v8;
	_ =	sdelay $0x1  }
0xc8: {  	v5 =	vsub.f32 v5, v6;
	_ =	sdelay $0x1  }
0xc9: {  	v6 =	vadd.f32 $6.283185480e+00, v5  }
0xca: {  	vm15 =	vlt.f32 v5, $-3.141592740e+00  }
0xcb: {  	v5 =	vsel vm15, v6, v5  }
0xcc: {  	v5 =	vmul.f32 $5.000000000e-01, v5;
	_ =	sdelay $0x1  }
0xcd: {  	v6 =	vmul.f32 v5, v5;
	_ =	sdelay $0x1  }
0xce: {  	v7 =	vmul.f32 $-2.388949840e-08, v6;
	_ =	sdelay $0x1  }
0xcf: {  	v7 =	vadd.f32 $2.752528870e-06, v7;
	_ =	sdelay $0x1  }
0xd0: {  	v7 =	vmul.f32 v7, v6;
	_ =	sdelay $0x1  }
0xd1: {  	v7 =	vadd.f32 $-1.984086120e-04, v7;
	_ =	sdelay $0x1  }
0xd2: {  	v7 =	vmul.f32 v7, v6;
	_ =	sdelay $0x1  }
0xd3: {  	v7 =	vadd.f32 $8.333330970e-03, v7;
	_ =	sdelay $0x1  }
0xd4: {  	v7 =	vmul.f32 v7, v6;
	_ =	sdelay $0x1  }
0xd5: {  	v7 =	vadd.f32 $-1.666666720e-01, v7;
	_ =	sdelay $0x1  }
0xd6: {  	v6 =	vmul.f32 v7, v6;
	_ =	sdelay $0x1  }
0xd7: {  	v6 =	vadd.f32 $1.000000000e+00, v6;
	_ =	sdelay $0x1  }
0xd8: {  	v5 =	vmul.f32 v6, v5;
	_ =	sdelay $0x1  }
0xd9: {  	v6 =	vadd.f32 v5, v5;
	_ =	sdelay $0x1  }
0xda: {  	v5 =	vmul.f32 v6, v5  }
0xdb: {  	v9 =	vld [tilespmem:s9+$0x4800]  }
0xdc: {  	s0 =	simm.s32 $0x40;
	v6 =	vsub.f32 $1.000000000e+00, v5  }
0xdd: {  	v8 =	vld [tilespmem:$0x4E00];
	v5 =	vmov s0  }
0xde: {  	v5 =	vshll.u32 v5, $0x3;
	v10 =	vadd.f32 $1.000000000e+00, v6  }
0xdf: {  	v6 =	vor.u32 v4, v5  }
0xe0: {  	s1 =	simm.s32 $0x80;
	v7 =	vor.u32 $0x1, v6;
	v9 =	vmul.f32 v10, v9  }
.LBB2_3:
0xe1: {  	p0 =	sne.s32 s1, $0x7C0;
	v10 =	vor.u32 v3, v5  }
0xe2: {  	v11 =	vor.u32 $0x1, v10;
	v8 =	vadd.f32 v9, v8;
	_ =	sdelay $0x1  }
0xe3: {  	v9 =	vor.u32 $0x2, v6;
	[tilespmem:$0x4E00] =	vst v8  }
0xe4: {  	v8 =	vor.u32 $0x2, v10;
	v7 =	vld.idx.msk [tilespmem:v7+s20+$0x0], $0xffff  }
0xe5: {  	v6 =	vld.idx.msk [tilespmem:v6+s20+$0x0], $0xffff  }
0xe6: {  	v11 =	vld.idx.msk [tilespmem:v11+s20+$0x0], $0xffff  }
0xe7: {  	v10 =	vld.idx.msk [tilespmem:v10+s20+$0x0], $0xffff  }
0xe8: {  	v9 =	vld.idx.msk [tilespmem:v9+s20+$0x0], $0xffff  }
0xe9: {  	v8 =	vld.idx.msk [tilespmem:v8+s20+$0x0], $0xffff;
	_ =	sdelay $0x3  }
0xea: {  	v13 =	vsub.f32 v11, v7;
	v12 =	vsub.f32 v10, v6;
	_ =	sdelay $0x1  }
0xeb: {  	v16 =	vmul.f32 v13, v13;
	v14 =	vsub.f32 v8, v9;
	v15 =	vmul.f32 v12, v12;
	_ =	sdelay $0x1  }
0xec: {  	v15 =	vadd.f32 v16, v15;
	v16 =	vmul.f32 v14, v14;
	_ =	sdelay $0x1  }
0xed: {  	v15 =	vadd.f32 v16, v15  }
0xee: {  	v16 =	vor.u32 v0, v5  }
0xef: {  	v17 =	vor.u32 $0x1, v16;
	v18 =	vshrl.u32 v15, $0x1;
	v19 =	vmul.f32 $5.000000000e-01, v15  }
0xf0: {  	v5 =	vor.u32 v2, v5;
	v18 =	vsub.s32 $0x5F3759DF, v18  }
0xf1: {  	v20 =	vor.u32 $0x2, v5;
	v21 =	vmul.f32 v18, v19  }
0xf2: {  	v22 =	vor.u32 $0x1, v5  }
0xf3: {  	v23 =	vor.u32 $0x2, v16;
	v21 =	vmul.f32 v18, v21  }
0xf4: {  	v17 =	vld.idx.msk [tilespmem:v17+s20+$0x0], $0xffff  }
0xf5: {  	v21 =	vsub.f32 $1.500000000e+00, v21;
	v16 =	vld.idx.msk [tilespmem:v16+s20+$0x0], $0xffff  }
0xf6: {  	v20 =	vld.idx.msk [tilespmem:v20+s20+$0x0], $0xffff  }
0xf7: {  	v18 =	vmul.f32 v18, v21;
	v22 =	vld.idx.msk [tilespmem:v22+s20+$0x0], $0xffff  }
0xf8: {  	v21 =	vld.idx.msk [tilespmem:v23+s20+$0x0], $0xffff  }
0xf9: {  	v23 =	vmul.f32 v18, v19  }
0xfa: {  	v7 =	vsub.f32 v7, v17;
	v5 =	vld.idx.msk [tilespmem:v5+s20+$0x0], $0xffff  }
0xfb: {  	v6 =	vsub.f32 v6, v16;
	v16 =	vmul.f32 v23, v18  }
0xfc: {  	v8 =	vsub.f32 v20, v8;
	v17 =	vmul.f32 v14, v7  }
0xfd: {  	v11 =	vsub.f32 v22, v11;
	v20 =	vmul.f32 v14, v6;
	v16 =	vsub.f32 $1.500000000e+00, v16  }
0xfe: {  	v6 =	vmul.f32 v13, v6;
	v9 =	vsub.f32 v9, v21;
	v21 =	vmul.f32 v8, v13  }
0xff: {  	v22 =	vmul.f32 v11, v14;
	v16 =	vmul.f32 v16, v18  }
0x100: {  	v7 =	vmul.f32 v12, v7;
	v5 =	vsub.f32 v5, v10;
	v10 =	vmul.f32 v13, v9  }
0x101: {  	v9 =	vmul.f32 v12, v9;
	v18 =	vsub.f32 v21, v22;
	v19 =	vmul.f32 v16, v19  }
0x102: {  	v10 =	vsub.f32 v17, v10;
	v14 =	vmul.f32 v5, v14;
	v17 =	vmul.f32 v8, v12  }
0x103: {  	v9 =	vsub.f32 v9, v20;
	v12 =	vmul.f32 v11, v12;
	v19 =	vmul.f32 v19, v16  }
0x104: {  	v6 =	vsub.f32 v6, v7;
	v13 =	vmul.f32 v5, v13;
	v7 =	vsub.f32 v14, v17  }
0x105: {  	v5 =	vmul.f32 v10, v5;
	v11 =	vmul.f32 v11, v9;
	v14 =	vsub.f32 $1.500000000e+00, v19  }
0x106: {  	v12 =	vsub.f32 v12, v13;
	v10 =	vmul.f32 v18, v10;
	v7 =	vmul.f32 v7, v9  }
0x107: {  	v8 =	vmul.f32 v8, v6;
	v5 =	vadd.f32 v11, v5;
	v9 =	vmul.f32 v14, v16  }
0x108: {  	v6 =	vmul.f32 v12, v6  }
0x109: {  	v7 =	vadd.f32 v7, v10;
	v5 =	vadd.f32 v8, v5;
	v8 =	vmul.f32 v9, v15;
	_ =	sdelay $0x1  }
0x10a: {  	v6 =	vadd.f32 v7, v6;
	v5 =	vmul.f32 v8, v5;
	_ =	sdelay $0x1  }
0x10b: {  	v7 =	vand.u32 $0x7FFFFFFF, v6;
	v8 =	vand.u32 $0x7FFFFFFF, v5  }
0x10c: {  	v9 =	vmax.f32 v7, v8  }
0x10d: {  	(erf) = vrcp.f32 v9;
	_ =	sdelay $0x8  }
0x10e: {  	v9 =	vmin.f32 v7, v8;
	v10 =	vpop (erf)  }
0x10f: {  	v9 =	vmul.f32 v10, v9;
	_ =	sdelay $0x1  }
0x110: {  	v10 =	vmul.f32 v9, v9;
	_ =	sdelay $0x1  }
0x111: {  	v11 =	vmul.f32 $2.834098880e-03, v10;
	_ =	sdelay $0x1  }
0x112: {  	v11 =	vadd.f32 $-1.600522550e-02, v11;
	_ =	sdelay $0x1  }
0x113: {  	v11 =	vmul.f32 v11, v10;
	_ =	sdelay $0x1  }
0x114: {  	v11 =	vadd.f32 $4.258802910e-02, v11;
	_ =	sdelay $0x1  }
0x115: {  	v11 =	vmul.f32 v11, v10;
	_ =	sdelay $0x1  }
0x116: {  	v11 =	vadd.f32 $-7.495492700e-02, v11;
	_ =	sdelay $0x1  }
0x117: {  	v11 =	vmul.f32 v11, v10;
	_ =	sdelay $0x1  }
0x118: {  	v11 =	vadd.f32 $1.063678260e-01, v11;
	_ =	sdelay $0x1  }
0x119: {  	v11 =	vmul.f32 v11, v10;
	_ =	sdelay $0x1  }
0x11a: {  	v11 =	vadd.f32 $-1.420257990e-01, v11;
	_ =	sdelay $0x1  }
0x11b: {  	v11 =	vmul.f32 v11, v10;
	_ =	sdelay $0x1  }
0x11c: {  	v11 =	vadd.f32 $1.999248560e-01, v11;
	_ =	sdelay $0x1  }
0x11d: {  	v11 =	vmul.f32 v11, v10;
	_ =	sdelay $0x1  }
0x11e: {  	v11 =	vadd.f32 $-3.333306610e-01, v11;
	_ =	sdelay $0x1  }
0x11f: {  	v10 =	vmul.f32 v11, v10;
	_ =	sdelay $0x1  }
0x120: {  	v10 =	vadd.f32 $1.000000000e+00, v10;
	_ =	sdelay $0x1  }
0x121: {  	v9 =	vmul.f32 v10, v9;
	_ =	sdelay $0x1  }
0x122: {  	v10 =	vsub.f32 $1.570796370e+00, v9  }
0x123: {  	vm0 =	vgt.f32 v8, v7  }
0x124: {  	s3 =	sshra.s32 s0, $0x2;
	s0 =	smov.u32 s1;
	v7 =	vsel vm0, v10, v9  }
0x125: {  	v8 =	vld [tilespmem:s3+$0x4A00];
	v9 =	vsub.f32 $3.141592740e+00, v7  }
0x126: {  	vm0 =	vlt.f32 v6, $0.0e+00  }
0x127: {  	v6 =	vld [tilespmem:s3+$0x4C00];
	v7 =	vsel vm0, v9, v7  }
0x128: {  	v5 =	vand.u32 $0x80000000, v5;
	v7 =	vand.u32 $0x7FFFFFFF, v7  }
0x129: {  	v5 =	vor.u32 v5, v7  }
0x12a: {  	v5 =	vmul.f32 v5, v8;
	_ =	sdelay $0x1  }
0x12b: {  	v5 =	vsub.f32 v5, v6;
	_ =	sdelay $0x1  }
0x12c: {  	v6 =	vadd.f32 $6.283185480e+00, v5  }
0x12d: {  	vm0 =	vlt.f32 v5, $-3.141592740e+00  }
0x12e: {  	v5 =	vsel vm0, v6, v5  }
0x12f: {  	v5 =	vmul.f32 $5.000000000e-01, v5;
	_ =	sdelay $0x1  }
0x130: {  	v6 =	vmul.f32 v5, v5;
	_ =	sdelay $0x1  }
0x131: {  	v7 =	vmul.f32 $-2.388949840e-08, v6;
	_ =	sdelay $0x1  }
0x132: {  	v7 =	vadd.f32 $2.752528870e-06, v7;
	_ =	sdelay $0x1  }
0x133: {  	v7 =	vmul.f32 v7, v6;
	_ =	sdelay $0x1  }
0x134: {  	v7 =	vadd.f32 $-1.984086120e-04, v7;
	_ =	sdelay $0x1  }
0x135: {  	v7 =	vmul.f32 v7, v6;
	_ =	sdelay $0x1  }
0x136: {  	v7 =	vadd.f32 $8.333330970e-03, v7;
	_ =	sdelay $0x1  }
0x137: {  	v7 =	vmul.f32 v7, v6;
	_ =	sdelay $0x1  }
0x138: {  	v7 =	vadd.f32 $-1.666666720e-01, v7;
	_ =	sdelay $0x1  }
0x139: {  	v6 =	vmul.f32 v7, v6;
	_ =	sdelay $0x1  }
0x13a: {  	v6 =	vadd.f32 $1.000000000e+00, v6;
	_ =	sdelay $0x1  }
0x13b: {  	v5 =	vmul.f32 v6, v5;
	_ =	sdelay $0x1  }
0x13c: {  	v6 =	vadd.f32 v5, v5;
	_ =	sdelay $0x1  }
0x13d: {  	v5 =	vmul.f32 v6, v5  }
0x13e: {  	v9 =	vld [tilespmem:s3+$0x4800]  }
.Ltmp0:
0x13f: {  	v6 =	vsub.f32 $1.000000000e+00, v5;
	(pc) =	sbr.rel @p0 .LBB2_3-.Ltmp0, $4  }
0x140: {  	v5 =	vmov s1;
	v8 =	vld [tilespmem:$0x4E00]  }
0x141: {  	v5 =	vshll.u32 v5, $0x3;
	v10 =	vadd.f32 $1.000000000e+00, v6  }
0x142: {  	v6 =	vor.u32 v4, v5  }
0x143: {  	s1 =	sadd.s32 $0x40, s1;
	v7 =	vor.u32 $0x1, v6;
	v9 =	vmul.f32 v10, v9  }
0x144: {  	_ = 	snop  }
0x145: {  	v10 =	vor.u32 v3, v5;
	v8 =	vadd.f32 v9, v8  }
0x146: {  	v11 =	vor.u32 $0x1, v10  }
0x147: {  	v43 =	vor.u32 $0x2, v6;
	[tilespmem:$0x4E00] =	vst v8  }
0x148: {  	v44 =	vor.u32 $0x2, v10;
	v7 =	vld.idx.msk [tilespmem:v7+s20+$0x0], $0xffff  }
0x149: {  	v6 =	vld.idx.msk [tilespmem:v6+s20+$0x0], $0xffff  }
0x14a: {  	v10 =	vld.idx.msk [tilespmem:v10+s20+$0x0], $0xffff  }
0x14b: {  	v11 =	vld.idx.msk [tilespmem:v11+s20+$0x0], $0xffff  }
0x14c: {  	v9 =	vld.idx.msk [tilespmem:v43+s20+$0x0], $0xffff  }
0x14d: {  	v8 =	vld.idx.msk [tilespmem:v44+s20+$0x0], $0xffff;
	_ =	sdelay $0x2  }
0x14e: {  	v12 =	vsub.f32 v10, v6;
	v13 =	vsub.f32 v11, v7;
	_ =	sdelay $0x1  }
0x14f: {  	v14 =	vsub.f32 v8, v9;
	v15 =	vmul.f32 v12, v12;
	v16 =	vmul.f32 v13, v13;
	_ =	sdelay $0x1  }
0x150: {  	v45 =	vmul.f32 v14, v14;
	v15 =	vadd.f32 v16, v15;
	_ =	sdelay $0x1  }
0x151: {  	v15 =	vadd.f32 v45, v15  }
0x152: {  	v46 =	vor.u32 v0, v5;
	v5 =	vor.u32 v2, v5  }
0x153: {  	v19 =	vor.u32 $0x1, v46;
	v17 =	vshrl.u32 v15, $0x1;
	v18 =	vmul.f32 $5.000000000e-01, v15  }
0x154: {  	v21 =	vor.u32 $0x2, v5;
	v17 =	vsub.s32 $0x5F3759DF, v17  }
0x155: {  	v22 =	vor.u32 $0x1, v5;
	v20 =	vmul.f32 v17, v18  }
0x156: {  	v23 =	vor.u32 $0x2, v46  }
0x157: {  	v20 =	vmul.f32 v17, v20  }
0x158: {  	v19 =	vld.idx.msk [tilespmem:v19+s20+$0x0], $0xffff  }
0x159: {  	v21 =	vld.idx.msk [tilespmem:v21+s20+$0x0], $0xffff;
	v20 =	vsub.f32 $1.500000000e+00, v20  }
0x15a: {  	v47 =	vld.idx.msk [tilespmem:v22+s20+$0x0], $0xffff  }
0x15b: {  	v48 =	vld.idx.msk [tilespmem:v23+s20+$0x0], $0xffff;
	v17 =	vmul.f32 v17, v20  }
0x15c: {  	v16 =	vld.idx.msk [tilespmem:v46+s20+$0x0], $0xffff  }
0x15d: {  	v49 =	vmul.f32 v17, v18  }
0x15e: {  	v7 =	vsub.f32 v7, v19;
	v8 =	vsub.f32 v21, v8  }
0x15f: {  	v5 =	vld.idx.msk [tilespmem:v5+s20+$0x0], $0xffff;
	v11 =	vsub.f32 v47, v11;
	v50 =	vmul.f32 v49, v17  }
0x160: {  	v9 =	vsub.f32 v9, v48;
	v19 =	vmul.f32 v14, v7;
	v21 =	vmul.f32 v8, v13  }
0x161: {  	v52 =	vmul.f32 v11, v14;
	v6 =	vsub.f32 v6, v16;
	v16 =	vsub.f32 $1.500000000e+00, v50  }
0x162: {  	v53 =	vmul.f32 v13, v9;
	v7 =	vmul.f32 v12, v7  }
0x163: {  	v9 =	vmul.f32 v12, v9;
	v16 =	vmul.f32 v16, v17  }
0x164: {  	v5 =	vsub.f32 v5, v10;
	v55 =	vmul.f32 v8, v12;
	v12 =	vmul.f32 v11, v12  }
0x165: {  	v51 =	vmul.f32 v14, v6;
	v18 =	vmul.f32 v16, v18  }
0x166: {  	v54 =	vsub.f32 v21, v52;
	v6 =	vmul.f32 v13, v6;
	v14 =	vmul.f32 v5, v14  }
0x167: {  	v10 =	vsub.f32 v19, v53;
	v9 =	vsub.f32 v9, v51;
	v18 =	vmul.f32 v18, v16  }
0x168: {  	v13 =	vmul.f32 v5, v13;
	v6 =	vsub.f32 v6, v7;
	v7 =	vsub.f32 v14, v55  }
0x169: {  	v5 =	vmul.f32 v10, v5;
	v11 =	vmul.f32 v11, v9;
	v56 =	vsub.f32 $1.500000000e+00, v18  }
0x16a: {  	v10 =	vmul.f32 v54, v10;
	v12 =	vsub.f32 v12, v13;
	v7 =	vmul.f32 v7, v9  }
0x16b: {  	v8 =	vmul.f32 v8, v6;
	v5 =	vadd.f32 v11, v5;
	v57 =	vmul.f32 v56, v16  }
0x16c: {  	v6 =	vmul.f32 v12, v6  }
0x16d: {  	v7 =	vadd.f32 v7, v10;
	v5 =	vadd.f32 v8, v5;
	v58 =	vmul.f32 v57, v15;
	_ =	sdelay $0x1  }
0x16e: {  	v6 =	vadd.f32 v7, v6;
	v5 =	vmul.f32 v58, v5;
	_ =	sdelay $0x1  }
0x16f: {  	v7 =	vand.u32 $0x7FFFFFFF, v6;
	v8 =	vand.u32 $0x7FFFFFFF, v5  }
0x170: {  	v59 =	vmax.f32 v7, v8  }
0x171: {  	(erf) = vrcp.f32 v59;
	_ =	sdelay $0x8  }
0x172: {  	v60 =	vmin.f32 v7, v8;
	v61 =	vpop (erf)  }
0x173: {  	v9 =	vmul.f32 v61, v60;
	_ =	sdelay $0x1  }
0x174: {  	v10 =	vmul.f32 v9, v9;
	_ =	sdelay $0x1  }
0x175: {  	v62 =	vmul.f32 $2.834098880e-03, v10;
	_ =	sdelay $0x1  }
0x176: {  	v11 =	vadd.f32 $-1.600522550e-02, v62;
	_ =	sdelay $0x1  }
0x177: {  	v11 =	vmul.f32 v11, v10;
	_ =	sdelay $0x1  }
0x178: {  	v11 =	vadd.f32 $4.258802910e-02, v11;
	_ =	sdelay $0x1  }
0x179: {  	v11 =	vmul.f32 v11, v10;
	_ =	sdelay $0x1  }
0x17a: {  	v11 =	vadd.f32 $-7.495492700e-02, v11;
	_ =	sdelay $0x1  }
0x17b: {  	v11 =	vmul.f32 v11, v10;
	_ =	sdelay $0x1  }
0x17c: {  	v11 =	vadd.f32 $1.063678260e-01, v11;
	_ =	sdelay $0x1  }
0x17d: {  	v11 =	vmul.f32 v11, v10;
	_ =	sdelay $0x1  }
0x17e: {  	v11 =	vadd.f32 $-1.420257990e-01, v11;
	_ =	sdelay $0x1  }
0x17f: {  	v11 =	vmul.f32 v11, v10;
	_ =	sdelay $0x1  }
0x180: {  	v11 =	vadd.f32 $1.999248560e-01, v11;
	_ =	sdelay $0x1  }
0x181: {  	v11 =	vmul.f32 v11, v10;
	_ =	sdelay $0x1  }
0x182: {  	v11 =	vadd.f32 $-3.333306610e-01, v11;
	_ =	sdelay $0x1  }
0x183: {  	v10 =	vmul.f32 v11, v10;
	_ =	sdelay $0x1  }
0x184: {  	v10 =	vadd.f32 $1.000000000e+00, v10;
	_ =	sdelay $0x1  }
0x185: {  	v9 =	vmul.f32 v10, v9;
	_ =	sdelay $0x1  }
0x186: {  	v10 =	vsub.f32 $1.570796370e+00, v9  }
0x187: {  	vm0 =	vgt.f32 v8, v7  }
0x188: {  	s0 =	sshra.s32 s0, $0x2;
	v7 =	vsel vm0, v10, v9  }
0x189: {  	v63 =	vld [tilespmem:s0+$0x4A00];
	v9 =	vsub.f32 $3.141592740e+00, v7  }
0x18a: {  	vm14 =	vlt.f32 v6, $0.0e+00  }
0x18b: {  	v6 =	vld [tilespmem:s0+$0x4C00];
	v7 =	vsel vm14, v9, v7  }
0x18c: {  	v5 =	vand.u32 $0x80000000, v5;
	v7 =	vand.u32 $0x7FFFFFFF, v7  }
0x18d: {  	v5 =	vor.u32 v5, v7  }
0x18e: {  	v5 =	vmul.f32 v5, v63;
	_ =	sdelay $0x1  }
0x18f: {  	v5 =	vsub.f32 v5, v6;
	_ =	sdelay $0x1  }
0x190: {  	v6 =	vadd.f32 $6.283185480e+00, v5  }
0x191: {  	vm15 =	vlt.f32 v5, $-3.141592740e+00  }
0x192: {  	v5 =	vsel vm15, v6, v5  }
0x193: {  	v5 =	vmul.f32 $5.000000000e-01, v5;
	_ =	sdelay $0x1  }
0x194: {  	v6 =	vmul.f32 v5, v5;
	_ =	sdelay $0x1  }
0x195: {  	v7 =	vmul.f32 $-2.388949840e-08, v6;
	_ =	sdelay $0x1  }
0x196: {  	v7 =	vadd.f32 $2.752528870e-06, v7;
	_ =	sdelay $0x1  }
0x197: {  	v7 =	vmul.f32 v7, v6;
	_ =	sdelay $0x1  }
0x198: {  	v7 =	vadd.f32 $-1.984086120e-04, v7;
	_ =	sdelay $0x1  }
0x199: {  	v7 =	vmul.f32 v7, v6;
	_ =	sdelay $0x1  }
0x19a: {  	v7 =	vadd.f32 $8.333330970e-03, v7;
	_ =	sdelay $0x1  }
0x19b: {  	v7 =	vmul.f32 v7, v6;
	_ =	sdelay $0x1  }
0x19c: {  	v7 =	vadd.f32 $-1.666666720e-01, v7;
	_ =	sdelay $0x1  }
0x19d: {  	v6 =	vmul.f32 v7, v6;
	_ =	sdelay $0x1  }
0x19e: {  	v6 =	vadd.f32 $1.000000000e+00, v6;
	_ =	sdelay $0x1  }
0x19f: {  	v5 =	vmul.f32 v6, v5;
	_ =	sdelay $0x1  }
0x1a0: {  	v6 =	vadd.f32 v5, v5;
	_ =	sdelay $0x1  }
0x1a1: {  	v5 =	vmul.f32 v6, v5  }
0x1a2: {  	v6 =	vld [tilespmem:s0+$0x4800]  }
0x1a3: {  	v5 =	vsub.f32 $1.000000000e+00, v5  }
0x1a4: {  	v7 =	vld [tilespmem:$0x4E00]  }
0x1a5: {  	s31 =	sadd.s32 $0x1, s31;
	v5 =	vadd.f32 $1.000000000e+00, v5  }
0x1a6: {  	p0 =	sne.s32 s31, $0x1F  }
.Ltmp1:
0x1a7: {  	v5 =	vmul.f32 v5, v6;
	(pc) =	sbr.rel @p0 .LBB2_2-.Ltmp1, $3  }
0x1a8: {  	_ = 	snop  }
0x1a9: {  	v5 =	vadd.f32 v5, v7;
	_ =	sdelay $0x1  }
0x1aa: {  	[tilespmem:$0x4E00] =	vst v5  }
0x1ab: {  	s0 =	simm.s32 $0x0;
	s1 =	rddreg [dreg:$0x5];
	s3 =	simm.s32 $0x4E00  }
0x1ac: {  	[hbm4b:s1+s0] =	stream.linear.scatter [tilespmem:s3], [sflag:$0x2], $0x10, $0x38;
	[tilespmem:$0x11190] =	vst v63  }
0x1ad: {  	_ =	swait.ge [sflag:s15], $0x10  }
0x1ae: {  	s9 =	rddreg [dreg:$0x8]  }
0x1af: {  	s31 =	rddreg [dreg:$0x6];
	s1 =	sadd.s32 $0x1, s9  }
0x1b0: {  	p0 =	sne.s32 s1, s31  }
.Ltmp2:
0x1b1: {  	_ = 	snop;
	(pc) =	sbr.rel @p0 .LBB2_1-.Ltmp2, $3  }
0x1b2: {  	_ =	sdelay $0x1  }
0x1b3: {  	[sflag:s15] =	ssyncset.done $0x0  }
0x1b4: {  	[sflag:s15] =	ssyncadd.s32 $0xFFFFFFF0  }
0x1b5: {  	_ =	sfence.sel $0x180000  }
0x1b6: {  	[bflag:$0x0] =	sbarrier.arrive $0xFFFF  }
0x1b7: {  	_ =	strace $0x90000047  }
0x1b8: {  	s0 =	stileid.u32;
	[bflag:$0x2] =	sbarrier.arrive $0xFFFF  }
0x1b9: {  	p0 =	sne.s32 s0, $0x0;
	s0 =	rddreg [dreg:$0x2]  }
0x1ba: {  	s0 =	sadd.s32 @!p0 $0x100000, s0  }
0x1bb: {  	[sflag:s0] =	ssyncadd.tile.s32 @!p0 $0x1;
	_ =	shalt  }
.Lfunc_end2:
_tile_overlayer_lowered:
.L_overlay_start_2:
0x1bc: {  	(tag) =	ssettag $0x2  }
0x1bd: {  	s0 =	rddreg [dreg:$0x0];
	s2 =	stileid.u32  }
0x1be: {  	s1 =	rddreg [dreg:$0x1];
	p0 =	sne.s32 s2, $0x0  }
0x1bf: {  	s3 =	rddreg [dreg:$0x2];
	[bflag:$0x3] =	sbarrier.arrive $0xFFFF;
	s2 =	simm.s32 @!p0 $0x1C02  }
0x1c0: {  	[timem:s3], [sflag:s2] =	dma.local @!p0 [hbm:s0], s1  }
0x1c1: {  	s0 =	simm.s32 @!p0 $0x2  }
0x1c2: {  	_ =	swait.ge @!p0 [sflag:s0], s1  }
0x1c3: {  	s1 =	ssub.s32 @!p0 $0x0, s1;
	[sflag:s0] =	ssyncset.done @!p0 $0x0  }
0x1c4: {  	[sflag:s0] =	ssyncadd.s32 @!p0 s1  }
0x1c5: {  	[bflag:$0x3] =	sbarrier.arrive $0xFFFF  }
0x1c6: {  	_ =	shalt  }

</sc_bundles>
